<compile_context>
chip_gen: v7x
topology: tpu7x:2x2x1
jax: 0.10.2.dev20260603
libtpu: 0.0.44.dev20260713+nightly
codegen_flags: <defaults>
</compile_context>

<pallas_src>
import functools

import jax
import jax.numpy as jnp
from jax import lax
from jax.experimental import pallas as pl
from jax.experimental.pallas import tpu as pltpu
from jax.experimental.pallas import tpu_sc as plsc

D_MODEL = 64
SCALE = 8.0

_INFO = plsc.get_sparse_core_info()
NC = _INFO.num_cores
NS = _INFO.num_subcores
NW = NC * NS
LANES = _INFO.num_lanes

CHUNK = 128
NBUF = 8
HALF = NBUF // 2
NO = 4


def _make_kernel(n_idx: int):
  assert n_idx % (NW * CHUNK) == 0
  per_w = n_idx // NW
  n_chunks = per_w // CHUNK
  assert n_chunks > NBUF

  mesh = plsc.VectorSubcoreMesh(core_axis_name="c", subcore_axis_name="s")

  @functools.partial(
      pl.kernel,
      out_type=jax.ShapeDtypeStruct((n_idx, 2 * D_MODEL), jnp.float32),
      mesh=mesh,
      scratch_types=[
          pltpu.VMEM((n_chunks, CHUNK), jnp.int32),
          pltpu.VMEM((NBUF, CHUNK, D_MODEL), jnp.float32),
          pltpu.SemaphoreType.DMA,
          pltpu.SemaphoreType.DMA,
      ],
      compiler_params=pltpu.CompilerParams(use_tc_tiling_on_sc=False),
  )
  def emb_kernel(idx_hbm, table_hbm, out_hbm, idx_v, rows_v, gsem, psem):
    wid = lax.axis_index("s") * NC + lax.axis_index("c")
    base = wid * per_w
    pltpu.sync_copy(idx_hbm.at[wid], idx_v)

    def fire_gather(j):
      pltpu.async_copy(table_hbm.at[idx_v.at[j]], rows_v.at[j % NBUF], gsem)

    def wait_gather():
      pltpu.make_async_copy(table_hbm.at[pl.ds(0, CHUNK)], rows_v.at[0],
                            gsem).wait()

    def wait_put():
      pltpu.make_async_copy(
          rows_v.at[0], out_hbm.at[pl.ds(0, CHUNK), pl.ds(0, D_MODEL)],
          psem).wait()

    for j in range(HALF):
      fire_gather(j)

    @pl.loop(0, n_chunks)
    def _chunk(j):
      bi = j % NBUF
      wait_gather()

      @pl.loop(0, CHUNK, unroll=4)
      def _row(r):
        for c in range(D_MODEL // LANES):
          sl = pl.ds(c * LANES, LANES)
          rows_v[bi, r, sl] = rows_v[bi, r, sl] * SCALE

      pltpu.async_copy(
          rows_v.at[bi],
          out_hbm.at[pl.ds(base + j * CHUNK, CHUNK), pl.ds(0, D_MODEL)],
          psem,
      )

      jn = j + HALF

      @pl.when(jn < n_chunks)
      def _():
        @pl.when(j >= HALF)
        def _():
          wait_put()
        fire_gather(jn)

    @pl.loop(0, NBUF)
    def _drain(_):
      wait_put()

  return emb_kernel


def kernel(x, table):
  b, s = x.shape
  n_idx = b * s
  idx = x.reshape(NW, n_idx // (NW * CHUNK), CHUNK).astype(jnp.int32)
  out = _make_kernel(n_idx)(idx, table)
  return out[:, :D_MODEL].reshape(b, s, D_MODEL)

# --- scband reference (transcript-rebuilt; emitter-appended) ---
"""Pipeline reference for scband-input-embeddings-8246337208435 (READ-ONLY COPY).

The authoritative reference and input builder live on the scoring server;
editing this copy changes nothing except your own understanding.
"""

import jax, jax.numpy as jnp
import numpy as np

D_MODEL = 64
VOCAB_SIZE = 1000000

def setup_inputs(seed: int = 0) -> dict:
    key = jax.random.key(seed)
    k1, k2 = jax.random.split(key)
    x = jax.random.randint(k1, (4096, 200), 0, VOCAB_SIZE, dtype=jnp.int64 if jax.config.jax_enable_x64 else jnp.int32)
    # Embedding table initialized like keras Embedding (uniform [-0.05, 0.05])
    table = jax.random.uniform(k2, (VOCAB_SIZE, D_MODEL), dtype=jnp.float32, minval=-0.05, maxval=0.05)
    return {"x": x, "table": table}

def reference(x, table):
    # InputEmbeddings.call: embedding lookup scaled by sqrt(d_model)
    emb = jnp.take(table, x, axis=0)
    return emb * np.sqrt(D_MODEL).astype(np.float32)

if __name__ == "__main__":
    import jax
    _d = setup_inputs()
    print(jax.jit(kernel)(*tuple(_d.values())))

</pallas_src>

<mosaic_0001>
#map = affine_map<(d0, d1) -> (0, 0, 0)>
#map1 = affine_map<(d0, d1) -> (0, 0)>
module attributes {stable_mosaic.version = 14 : i64} {
  func.func @emb_kernel(%arg0: i32, %arg1: i32, %arg2: memref<32x200x128xi32, #tpu.memory_space<hbm>>, %arg3: memref<1000000x64xf32, #tpu.memory_space<hbm>>, %arg4: memref<819200x128xf32, #tpu.memory_space<hbm>>, %arg5: memref<200x128xi32, #tpu.memory_space<vmem>>, %arg6: memref<8x128x64xf32, #tpu.memory_space<vmem>>, %arg7: memref<!tpu.dma_semaphore, #tpu.memory_space<semaphore_mem>>, %arg8: memref<!tpu.dma_semaphore, #tpu.memory_space<semaphore_mem>>) attributes {dimension_semantics = [#tpu.dimension_semantics<core_parallel>, #tpu.dimension_semantics<subcore_parallel>], iteration_bounds = array<i64: 2, 16>, scalar_prefetch = 0 : i64, scratch_operands = 4 : i64, tpu.core_type = #tpu.core_type<sc_vector_subcore>, window_params = [{transform_indices = #map}, {transform_indices = #map1}, {transform_indices = #map1}]} {
    %mul3A = arith.constant 2 : i32
    %mul3A_0 = arith.muli %arg1, %mul3A : i32
    %add3A = arith.addi %mul3A_0, %arg0 : i32
    %mul3A_1 = arith.constant 25600 : i32
    %mul3A_2 = arith.muli %add3A, %mul3A_1 : i32
    "tpu.region"() ({
      %run_scoped3A = tpu.sem_alloc : memref<!tpu.dma_semaphore, #tpu.memory_space<semaphore_mem>>
      %dma_start3A_59 = arith.constant 0 : i32
      %dma_start3A_60 = arith.constant 0 : i32
      %dma_start3A_61 = tpu.memref_slice %arg2[%add3A, %dma_start3A_59, %dma_start3A_60] : memref<32x200x128xi32, #tpu.memory_space<hbm>> -> memref<1x200x128xi32, #tpu.memory_space<hbm>>
      %dma_start3A_62 = tpu.memref_squeeze %dma_start3A_61 : memref<1x200x128xi32, #tpu.memory_space<hbm>> -> memref<200x128xi32, #tpu.memory_space<hbm>>
      %dma_start3A_63 = arith.constant 0 : i32
      %dma_start3A_64 = arith.constant 0 : i32
      %dma_start3A_65 = tpu.memref_slice %arg2[%add3A, %dma_start3A_63, %dma_start3A_64] : memref<32x200x128xi32, #tpu.memory_space<hbm>> -> memref<1x200x128xi32, #tpu.memory_space<hbm>>
      %dma_start3A_66 = tpu.memref_squeeze %dma_start3A_65 : memref<1x200x128xi32, #tpu.memory_space<hbm>> -> memref<200x128xi32, #tpu.memory_space<hbm>>
      tpu.enqueue_dma source(%dma_start3A_66 : memref<200x128xi32, #tpu.memory_space<hbm>>) target(%arg5 : memref<200x128xi32, #tpu.memory_space<vmem>>) target_semaphore(%run_scoped3A : memref<!tpu.dma_semaphore, #tpu.memory_space<semaphore_mem>>)
      %dma_wait3A = arith.constant 0 : i32
      %dma_wait3A_67 = arith.constant 0 : i32
      %dma_wait3A_68 = tpu.memref_slice %arg2[%add3A, %dma_wait3A, %dma_wait3A_67] : memref<32x200x128xi32, #tpu.memory_space<hbm>> -> memref<1x200x128xi32, #tpu.memory_space<hbm>>
      %dma_wait3A_69 = tpu.memref_squeeze %dma_wait3A_68 : memref<1x200x128xi32, #tpu.memory_space<hbm>> -> memref<200x128xi32, #tpu.memory_space<hbm>>
      %dma_wait3A_70 = arith.constant 0 : i32
      %dma_wait3A_71 = arith.constant 0 : i32
      %dma_wait3A_72 = tpu.memref_slice %arg2[%add3A, %dma_wait3A_70, %dma_wait3A_71] : memref<32x200x128xi32, #tpu.memory_space<hbm>> -> memref<1x200x128xi32, #tpu.memory_space<hbm>>
      %dma_wait3A_73 = tpu.memref_squeeze %dma_wait3A_72 : memref<1x200x128xi32, #tpu.memory_space<hbm>> -> memref<200x128xi32, #tpu.memory_space<hbm>>
      tpu.wait_dma2 semaphore(%run_scoped3A : memref<!tpu.dma_semaphore, #tpu.memory_space<semaphore_mem>>) src(%dma_wait3A_73 : memref<200x128xi32, #tpu.memory_space<hbm>>) dst(%arg5 : memref<200x128xi32, #tpu.memory_space<vmem>>)
      tpu.yield
    }) : () -> ()
    %dma_start3A = arith.constant 0 : i32
    %dma_start3A_3 = arith.constant 0 : i32
    %dma_start3A_4 = arith.constant 0 : i32
    %dma_start3A_5 = arith.constant 0 : i32
    %dma_start3A_6 = tpu.memref_slice %arg6[%dma_start3A_3, %dma_start3A_4, %dma_start3A_5] : memref<8x128x64xf32, #tpu.memory_space<vmem>> -> memref<1x128x64xf32, #tpu.memory_space<vmem>>
    %dma_start3A_7 = tpu.memref_squeeze %dma_start3A_6 : memref<1x128x64xf32, #tpu.memory_space<vmem>> -> memref<128x64xf32, #tpu.memory_space<vmem>>
    %dma_start3A_8 = arith.constant 0 : i32
    %dma_start3A_9 = tpu.memref_slice %arg5[%dma_start3A, %dma_start3A_8] : memref<200x128xi32, #tpu.memory_space<vmem>> -> memref<1x128xi32, #tpu.memory_space<vmem>>
    %dma_start3A_10 = tpu.memref_squeeze %dma_start3A_9 : memref<1x128xi32, #tpu.memory_space<vmem>> -> memref<128xi32, #tpu.memory_space<vmem>>
    %dma_start3A_11 = arith.constant 0 : i32
    %dma_start3A_12 = arith.constant 0 : i32
    %dma_start3A_13 = tpu.memref_slice %arg3[%dma_start3A_11, %dma_start3A_12] : memref<1000000x64xf32, #tpu.memory_space<hbm>> -> memref<1000000x64xf32, #tpu.memory_space<hbm>>
    tpu.enqueue_indirect_dma source(%dma_start3A_13 : memref<1000000x64xf32, #tpu.memory_space<hbm>>) target(%dma_start3A_7 : memref<128x64xf32, #tpu.memory_space<vmem>>) offsets(%dma_start3A_10 : memref<128xi32, #tpu.memory_space<vmem>>) semaphore(%arg7 : memref<!tpu.dma_semaphore, #tpu.memory_space<semaphore_mem>>)
    %dma_start3A_14 = arith.constant 1 : i32
    %dma_start3A_15 = arith.constant 1 : i32
    %dma_start3A_16 = arith.constant 0 : i32
    %dma_start3A_17 = arith.constant 0 : i32
    %dma_start3A_18 = tpu.memref_slice %arg6[%dma_start3A_15, %dma_start3A_16, %dma_start3A_17] : memref<8x128x64xf32, #tpu.memory_space<vmem>> -> memref<1x128x64xf32, #tpu.memory_space<vmem>>
    %dma_start3A_19 = tpu.memref_squeeze %dma_start3A_18 : memref<1x128x64xf32, #tpu.memory_space<vmem>> -> memref<128x64xf32, #tpu.memory_space<vmem>>
    %dma_start3A_20 = arith.constant 0 : i32
    %dma_start3A_21 = tpu.memref_slice %arg5[%dma_start3A_14, %dma_start3A_20] : memref<200x128xi32, #tpu.memory_space<vmem>> -> memref<1x128xi32, #tpu.memory_space<vmem>>
    %dma_start3A_22 = tpu.memref_squeeze %dma_start3A_21 : memref<1x128xi32, #tpu.memory_space<vmem>> -> memref<128xi32, #tpu.memory_space<vmem>>
    %dma_start3A_23 = arith.constant 0 : i32
    %dma_start3A_24 = arith.constant 0 : i32
    %dma_start3A_25 = tpu.memref_slice %arg3[%dma_start3A_23, %dma_start3A_24] : memref<1000000x64xf32, #tpu.memory_space<hbm>> -> memref<1000000x64xf32, #tpu.memory_space<hbm>>
    tpu.enqueue_indirect_dma source(%dma_start3A_25 : memref<1000000x64xf32, #tpu.memory_space<hbm>>) target(%dma_start3A_19 : memref<128x64xf32, #tpu.memory_space<vmem>>) offsets(%dma_start3A_22 : memref<128xi32, #tpu.memory_space<vmem>>) semaphore(%arg7 : memref<!tpu.dma_semaphore, #tpu.memory_space<semaphore_mem>>)
    %dma_start3A_26 = arith.constant 2 : i32
    %dma_start3A_27 = arith.constant 2 : i32
    %dma_start3A_28 = arith.constant 0 : i32
    %dma_start3A_29 = arith.constant 0 : i32
    %dma_start3A_30 = tpu.memref_slice %arg6[%dma_start3A_27, %dma_start3A_28, %dma_start3A_29] : memref<8x128x64xf32, #tpu.memory_space<vmem>> -> memref<1x128x64xf32, #tpu.memory_space<vmem>>
    %dma_start3A_31 = tpu.memref_squeeze %dma_start3A_30 : memref<1x128x64xf32, #tpu.memory_space<vmem>> -> memref<128x64xf32, #tpu.memory_space<vmem>>
    %dma_start3A_32 = arith.constant 0 : i32
    %dma_start3A_33 = tpu.memref_slice %arg5[%dma_start3A_26, %dma_start3A_32] : memref<200x128xi32, #tpu.memory_space<vmem>> -> memref<1x128xi32, #tpu.memory_space<vmem>>
    %dma_start3A_34 = tpu.memref_squeeze %dma_start3A_33 : memref<1x128xi32, #tpu.memory_space<vmem>> -> memref<128xi32, #tpu.memory_space<vmem>>
    %dma_start3A_35 = arith.constant 0 : i32
    %dma_start3A_36 = arith.constant 0 : i32
    %dma_start3A_37 = tpu.memref_slice %arg3[%dma_start3A_35, %dma_start3A_36] : memref<1000000x64xf32, #tpu.memory_space<hbm>> -> memref<1000000x64xf32, #tpu.memory_space<hbm>>
    tpu.enqueue_indirect_dma source(%dma_start3A_37 : memref<1000000x64xf32, #tpu.memory_space<hbm>>) target(%dma_start3A_31 : memref<128x64xf32, #tpu.memory_space<vmem>>) offsets(%dma_start3A_34 : memref<128xi32, #tpu.memory_space<vmem>>) semaphore(%arg7 : memref<!tpu.dma_semaphore, #tpu.memory_space<semaphore_mem>>)
    %dma_start3A_38 = arith.constant 3 : i32
    %dma_start3A_39 = arith.constant 3 : i32
    %dma_start3A_40 = arith.constant 0 : i32
    %dma_start3A_41 = arith.constant 0 : i32
    %dma_start3A_42 = tpu.memref_slice %arg6[%dma_start3A_39, %dma_start3A_40, %dma_start3A_41] : memref<8x128x64xf32, #tpu.memory_space<vmem>> -> memref<1x128x64xf32, #tpu.memory_space<vmem>>
    %dma_start3A_43 = tpu.memref_squeeze %dma_start3A_42 : memref<1x128x64xf32, #tpu.memory_space<vmem>> -> memref<128x64xf32, #tpu.memory_space<vmem>>
    %dma_start3A_44 = arith.constant 0 : i32
    %dma_start3A_45 = tpu.memref_slice %arg5[%dma_start3A_38, %dma_start3A_44] : memref<200x128xi32, #tpu.memory_space<vmem>> -> memref<1x128xi32, #tpu.memory_space<vmem>>
    %dma_start3A_46 = tpu.memref_squeeze %dma_start3A_45 : memref<1x128xi32, #tpu.memory_space<vmem>> -> memref<128xi32, #tpu.memory_space<vmem>>
    %dma_start3A_47 = arith.constant 0 : i32
    %dma_start3A_48 = arith.constant 0 : i32
    %dma_start3A_49 = tpu.memref_slice %arg3[%dma_start3A_47, %dma_start3A_48] : memref<1000000x64xf32, #tpu.memory_space<hbm>> -> memref<1000000x64xf32, #tpu.memory_space<hbm>>
    tpu.enqueue_indirect_dma source(%dma_start3A_49 : memref<1000000x64xf32, #tpu.memory_space<hbm>>) target(%dma_start3A_43 : memref<128x64xf32, #tpu.memory_space<vmem>>) offsets(%dma_start3A_46 : memref<128xi32, #tpu.memory_space<vmem>>) semaphore(%arg7 : memref<!tpu.dma_semaphore, #tpu.memory_space<semaphore_mem>>)
    %scan3A = arith.constant 0 : i32
    %scan3A_50 = arith.constant 200 : i32
    %scan3A_51 = arith.addi %scan3A, %scan3A_50 : i32
    %scan3A_52 = arith.constant 1 : i32
    scf.for %scan3A_59 = %scan3A to %scan3A_51 step %scan3A_52  : i32 {
      %mul3A_60 = arith.constant 1 : i32
      %mul3A_61 = arith.muli %scan3A_59, %mul3A_60 : i32
      %add3A_62 = arith.constant 0 : i32
      %add3A_63 = arith.addi %add3A_62, %mul3A_61 : i32
      %jit3A = arith.constant 8 : i32
      %eq3A = arith.constant 0 : i32
      %eq3A_64 = arith.cmpi eq, %jit3A, %eq3A : i32
      %jit3A_65 = arith.constant 1 : i32
      %select_n3A = arith.select %eq3A_64, %jit3A_65, %jit3A : i32
      %rem3A = arith.remsi %add3A_63, %select_n3A : i32
      %ne3A = arith.constant 0 : i32
      %ne3A_66 = arith.cmpi ne, %rem3A, %ne3A : i32
      %lt3A = arith.constant 0 : i32
      %lt3A_67 = arith.cmpi slt, %rem3A, %lt3A : i32
      %lt3A_68 = arith.constant 0 : i32
      %lt3A_69 = arith.cmpi slt, %select_n3A, %lt3A_68 : i32
      %ne3A_70 = arith.xori %lt3A_67, %lt3A_69 : i1
      %and3A = arith.andi %ne3A_70, %ne3A_66 : i1
      %add3A_71 = arith.addi %rem3A, %select_n3A : i32
      %select_n3A_72 = arith.select %and3A, %add3A_71, %rem3A : i32
      %dma_wait3A = arith.constant 0 : i32
      %dma_wait3A_73 = arith.constant 0 : i32
      %dma_wait3A_74 = arith.constant 0 : i32
      %dma_wait3A_75 = tpu.memref_slice %arg6[%dma_wait3A, %dma_wait3A_73, %dma_wait3A_74] : memref<8x128x64xf32, #tpu.memory_space<vmem>> -> memref<1x128x64xf32, #tpu.memory_space<vmem>>
      %dma_wait3A_76 = tpu.memref_squeeze %dma_wait3A_75 : memref<1x128x64xf32, #tpu.memory_space<vmem>> -> memref<128x64xf32, #tpu.memory_space<vmem>>
      %dma_wait3A_77 = arith.constant 0 : i32
      %dma_wait3A_78 = arith.constant 0 : i32
      %dma_wait3A_79 = tpu.memref_slice %arg3[%dma_wait3A_77, %dma_wait3A_78] : memref<1000000x64xf32, #tpu.memory_space<hbm>> -> memref<128x64xf32, #tpu.memory_space<hbm>>
      %dma_wait3A_80 = arith.constant 0 : i32
      %dma_wait3A_81 = arith.constant 0 : i32
      %dma_wait3A_82 = tpu.memref_slice %arg6[%dma_wait3A, %dma_wait3A_80, %dma_wait3A_81] : memref<8x128x64xf32, #tpu.memory_space<vmem>> -> memref<1x128x64xf32, #tpu.memory_space<vmem>>
      %dma_wait3A_83 = tpu.memref_squeeze %dma_wait3A_82 : memref<1x128x64xf32, #tpu.memory_space<vmem>> -> memref<128x64xf32, #tpu.memory_space<vmem>>
      %dma_wait3A_84 = arith.constant 0 : i32
      %dma_wait3A_85 = arith.constant 0 : i32
      %dma_wait3A_86 = tpu.memref_slice %arg3[%dma_wait3A_84, %dma_wait3A_85] : memref<1000000x64xf32, #tpu.memory_space<hbm>> -> memref<128x64xf32, #tpu.memory_space<hbm>>
      tpu.wait_dma2 semaphore(%arg7 : memref<!tpu.dma_semaphore, #tpu.memory_space<semaphore_mem>>) src(%dma_wait3A_86 : memref<128x64xf32, #tpu.memory_space<hbm>>) dst(%dma_wait3A_83 : memref<128x64xf32, #tpu.memory_space<vmem>>)
      %scan3A_87 = arith.constant 0 : i32
      %scan3A_88 = arith.constant 128 : i32
      %scan3A_89 = arith.addi %scan3A_87, %scan3A_88 : i32
      %scan3A_90 = arith.constant 4 : i32
      scf.for %scan3A_112 = %scan3A_87 to %scan3A_89 step %scan3A_90  : i32 {
        %mul3A_113 = arith.constant 1 : i32
        %mul3A_114 = arith.muli %scan3A_112, %mul3A_113 : i32
        %add3A_115 = arith.constant 0 : i32
        %add3A_116 = arith.addi %add3A_115, %mul3A_114 : i32
        %get3A = arith.index_cast %select_n3A_72 : i32 to index
        %get3A_117 = arith.index_cast %add3A_116 : i32 to index
        %get3A_118 = arith.constant 0 : index
        %get3A_119 = tpu.vector_load %arg6[%get3A, %get3A_117, %get3A_118] {strides = array<i32>} : memref<8x128x64xf32, #tpu.memory_space<vmem>>, vector<1x1x16xf32>,
        %get3A_120 = vector.shape_cast %get3A_119 : vector<1x1x16xf32> to vector<16xf32>
        %mul3A_121 = arith.constant 8.000000e+00 : f32
        %mul3A_122 = vector.broadcast %mul3A_121 : f32 to vector<16xf32>
        %mul3A_123 = arith.mulf %get3A_120, %mul3A_122 : vector<16xf32>
        %swap3A = arith.index_cast %select_n3A_72 : i32 to index
        %swap3A_124 = arith.index_cast %add3A_116 : i32 to index
        %swap3A_125 = arith.constant 0 : index
        %swap3A_126 = tpu.vector_load %arg6[%swap3A, %swap3A_124, %swap3A_125] {strides = array<i32>} : memref<8x128x64xf32, #tpu.memory_space<vmem>>, vector<1x1x16xf32>,
        %swap3A_127 = vector.shape_cast %swap3A_126 : vector<1x1x16xf32> to vector<16xf32>
        %swap3A_128 = vector.shape_cast %mul3A_123 : vector<16xf32> to vector<1x1x16xf32>
        tpu.vector_store %arg6[%swap3A, %swap3A_124, %swap3A_125], %swap3A_128 {strides = array<i32>} : memref<8x128x64xf32, #tpu.memory_space<vmem>>, vector<1x1x16xf32>,
        %get3A_129 = arith.index_cast %select_n3A_72 : i32 to index
        %get3A_130 = arith.index_cast %add3A_116 : i32 to index
        %get3A_131 = arith.constant 16 : index
        %get3A_132 = tpu.vector_load %arg6[%get3A_129, %get3A_130, %get3A_131] {strides = array<i32>} : memref<8x128x64xf32, #tpu.memory_space<vmem>>, vector<1x1x16xf32>,
        %get3A_133 = vector.shape_cast %get3A_132 : vector<1x1x16xf32> to vector<16xf32>
        %mul3A_134 = arith.constant 8.000000e+00 : f32
        %mul3A_135 = vector.broadcast %mul3A_134 : f32 to vector<16xf32>
        %mul3A_136 = arith.mulf %get3A_133, %mul3A_135 : vector<16xf32>
        %swap3A_137 = arith.index_cast %select_n3A_72 : i32 to index
        %swap3A_138 = arith.index_cast %add3A_116 : i32 to index
        %swap3A_139 = arith.constant 16 : index
        %swap3A_140 = tpu.vector_load %arg6[%swap3A_137, %swap3A_138, %swap3A_139] {strides = array<i32>} : memref<8x128x64xf32, #tpu.memory_space<vmem>>, vector<1x1x16xf32>,
        %swap3A_141 = vector.shape_cast %swap3A_140 : vector<1x1x16xf32> to vector<16xf32>
        %swap3A_142 = vector.shape_cast %mul3A_136 : vector<16xf32> to vector<1x1x16xf32>
        tpu.vector_store %arg6[%swap3A_137, %swap3A_138, %swap3A_139], %swap3A_142 {strides = array<i32>} : memref<8x128x64xf32, #tpu.memory_space<vmem>>, vector<1x1x16xf32>,
        %get3A_143 = arith.index_cast %select_n3A_72 : i32 to index
        %get3A_144 = arith.index_cast %add3A_116 : i32 to index
        %get3A_145 = arith.constant 32 : index
        %get3A_146 = tpu.vector_load %arg6[%get3A_143, %get3A_144, %get3A_145] {strides = array<i32>} : memref<8x128x64xf32, #tpu.memory_space<vmem>>, vector<1x1x16xf32>,
        %get3A_147 = vector.shape_cast %get3A_146 : vector<1x1x16xf32> to vector<16xf32>
        %mul3A_148 = arith.constant 8.000000e+00 : f32
        %mul3A_149 = vector.broadcast %mul3A_148 : f32 to vector<16xf32>
        %mul3A_150 = arith.mulf %get3A_147, %mul3A_149 : vector<16xf32>
        %swap3A_151 = arith.index_cast %select_n3A_72 : i32 to index
        %swap3A_152 = arith.index_cast %add3A_116 : i32 to index
        %swap3A_153 = arith.constant 32 : index
        %swap3A_154 = tpu.vector_load %arg6[%swap3A_151, %swap3A_152, %swap3A_153] {strides = array<i32>} : memref<8x128x64xf32, #tpu.memory_space<vmem>>, vector<1x1x16xf32>,
        %swap3A_155 = vector.shape_cast %swap3A_154 : vector<1x1x16xf32> to vector<16xf32>
        %swap3A_156 = vector.shape_cast %mul3A_150 : vector<16xf32> to vector<1x1x16xf32>
        tpu.vector_store %arg6[%swap3A_151, %swap3A_152, %swap3A_153], %swap3A_156 {strides = array<i32>} : memref<8x128x64xf32, #tpu.memory_space<vmem>>, vector<1x1x16xf32>,
        %get3A_157 = arith.index_cast %select_n3A_72 : i32 to index
        %get3A_158 = arith.index_cast %add3A_116 : i32 to index
        %get3A_159 = arith.constant 48 : index
        %get3A_160 = tpu.vector_load %arg6[%get3A_157, %get3A_158, %get3A_159] {strides = array<i32>} : memref<8x128x64xf32, #tpu.memory_space<vmem>>, vector<1x1x16xf32>,
        %get3A_161 = vector.shape_cast %get3A_160 : vector<1x1x16xf32> to vector<16xf32>
        %mul3A_162 = arith.constant 8.000000e+00 : f32
        %mul3A_163 = vector.broadcast %mul3A_162 : f32 to vector<16xf32>
        %mul3A_164 = arith.mulf %get3A_161, %mul3A_163 : vector<16xf32>
        %swap3A_165 = arith.index_cast %select_n3A_72 : i32 to index
        %swap3A_166 = arith.index_cast %add3A_116 : i32 to index
        %swap3A_167 = arith.constant 48 : index
        %swap3A_168 = tpu.vector_load %arg6[%swap3A_165, %swap3A_166, %swap3A_167] {strides = array<i32>} : memref<8x128x64xf32, #tpu.memory_space<vmem>>, vector<1x1x16xf32>,
        %swap3A_169 = vector.shape_cast %swap3A_168 : vector<1x1x16xf32> to vector<16xf32>
        %swap3A_170 = vector.shape_cast %mul3A_164 : vector<16xf32> to vector<1x1x16xf32>
        tpu.vector_store %arg6[%swap3A_165, %swap3A_166, %swap3A_167], %swap3A_170 {strides = array<i32>} : memref<8x128x64xf32, #tpu.memory_space<vmem>>, vector<1x1x16xf32>,
        %scan3A_171 = arith.constant 1 : i32
        %scan3A_172 = arith.addi %scan3A_112, %scan3A_171 : i32
        %mul3A_173 = arith.constant 1 : i32
        %mul3A_174 = arith.muli %scan3A_172, %mul3A_173 : i32
        %add3A_175 = arith.constant 0 : i32
        %add3A_176 = arith.addi %add3A_175, %mul3A_174 : i32
        %get3A_177 = arith.index_cast %select_n3A_72 : i32 to index
        %get3A_178 = arith.index_cast %add3A_176 : i32 to index
        %get3A_179 = arith.constant 0 : index
        %get3A_180 = tpu.vector_load %arg6[%get3A_177, %get3A_178, %get3A_179] {strides = array<i32>} : memref<8x128x64xf32, #tpu.memory_space<vmem>>, vector<1x1x16xf32>,
        %get3A_181 = vector.shape_cast %get3A_180 : vector<1x1x16xf32> to vector<16xf32>
        %mul3A_182 = arith.constant 8.000000e+00 : f32
        %mul3A_183 = vector.broadcast %mul3A_182 : f32 to vector<16xf32>
        %mul3A_184 = arith.mulf %get3A_181, %mul3A_183 : vector<16xf32>
        %swap3A_185 = arith.index_cast %select_n3A_72 : i32 to index
        %swap3A_186 = arith.index_cast %add3A_176 : i32 to index
        %swap3A_187 = arith.constant 0 : index
        %swap3A_188 = tpu.vector_load %arg6[%swap3A_185, %swap3A_186, %swap3A_187] {strides = array<i32>} : memref<8x128x64xf32, #tpu.memory_space<vmem>>, vector<1x1x16xf32>,
        %swap3A_189 = vector.shape_cast %swap3A_188 : vector<1x1x16xf32> to vector<16xf32>
        %swap3A_190 = vector.shape_cast %mul3A_184 : vector<16xf32> to vector<1x1x16xf32>
        tpu.vector_store %arg6[%swap3A_185, %swap3A_186, %swap3A_187], %swap3A_190 {strides = array<i32>} : memref<8x128x64xf32, #tpu.memory_space<vmem>>, vector<1x1x16xf32>,
        %get3A_191 = arith.index_cast %select_n3A_72 : i32 to index
        %get3A_192 = arith.index_cast %add3A_176 : i32 to index
        %get3A_193 = arith.constant 16 : index
        %get3A_194 = tpu.vector_load %arg6[%get3A_191, %get3A_192, %get3A_193] {strides = array<i32>} : memref<8x128x64xf32, #tpu.memory_space<vmem>>, vector<1x1x16xf32>,
        %get3A_195 = vector.shape_cast %get3A_194 : vector<1x1x16xf32> to vector<16xf32>
        %mul3A_196 = arith.constant 8.000000e+00 : f32
        %mul3A_197 = vector.broadcast %mul3A_196 : f32 to vector<16xf32>
        %mul3A_198 = arith.mulf %get3A_195, %mul3A_197 : vector<16xf32>
        %swap3A_199 = arith.index_cast %select_n3A_72 : i32 to index
        %swap3A_200 = arith.index_cast %add3A_176 : i32 to index
        %swap3A_201 = arith.constant 16 : index
        %swap3A_202 = tpu.vector_load %arg6[%swap3A_199, %swap3A_200, %swap3A_201] {strides = array<i32>} : memref<8x128x64xf32, #tpu.memory_space<vmem>>, vector<1x1x16xf32>,
        %swap3A_203 = vector.shape_cast %swap3A_202 : vector<1x1x16xf32> to vector<16xf32>
        %swap3A_204 = vector.shape_cast %mul3A_198 : vector<16xf32> to vector<1x1x16xf32>
        tpu.vector_store %arg6[%swap3A_199, %swap3A_200, %swap3A_201], %swap3A_204 {strides = array<i32>} : memref<8x128x64xf32, #tpu.memory_space<vmem>>, vector<1x1x16xf32>,
        %get3A_205 = arith.index_cast %select_n3A_72 : i32 to index
        %get3A_206 = arith.index_cast %add3A_176 : i32 to index
        %get3A_207 = arith.constant 32 : index
        %get3A_208 = tpu.vector_load %arg6[%get3A_205, %get3A_206, %get3A_207] {strides = array<i32>} : memref<8x128x64xf32, #tpu.memory_space<vmem>>, vector<1x1x16xf32>,
        %get3A_209 = vector.shape_cast %get3A_208 : vector<1x1x16xf32> to vector<16xf32>
        %mul3A_210 = arith.constant 8.000000e+00 : f32
        %mul3A_211 = vector.broadcast %mul3A_210 : f32 to vector<16xf32>
        %mul3A_212 = arith.mulf %get3A_209, %mul3A_211 : vector<16xf32>
        %swap3A_213 = arith.index_cast %select_n3A_72 : i32 to index
        %swap3A_214 = arith.index_cast %add3A_176 : i32 to index
        %swap3A_215 = arith.constant 32 : index
        %swap3A_216 = tpu.vector_load %arg6[%swap3A_213, %swap3A_214, %swap3A_215] {strides = array<i32>} : memref<8x128x64xf32, #tpu.memory_space<vmem>>, vector<1x1x16xf32>,
        %swap3A_217 = vector.shape_cast %swap3A_216 : vector<1x1x16xf32> to vector<16xf32>
        %swap3A_218 = vector.shape_cast %mul3A_212 : vector<16xf32> to vector<1x1x16xf32>
        tpu.vector_store %arg6[%swap3A_213, %swap3A_214, %swap3A_215], %swap3A_218 {strides = array<i32>} : memref<8x128x64xf32, #tpu.memory_space<vmem>>, vector<1x1x16xf32>,
        %get3A_219 = arith.index_cast %select_n3A_72 : i32 to index
        %get3A_220 = arith.index_cast %add3A_176 : i32 to index
        %get3A_221 = arith.constant 48 : index
        %get3A_222 = tpu.vector_load %arg6[%get3A_219, %get3A_220, %get3A_221] {strides = array<i32>} : memref<8x128x64xf32, #tpu.memory_space<vmem>>, vector<1x1x16xf32>,
        %get3A_223 = vector.shape_cast %get3A_222 : vector<1x1x16xf32> to vector<16xf32>
        %mul3A_224 = arith.constant 8.000000e+00 : f32
        %mul3A_225 = vector.broadcast %mul3A_224 : f32 to vector<16xf32>
        %mul3A_226 = arith.mulf %get3A_223, %mul3A_225 : vector<16xf32>
        %swap3A_227 = arith.index_cast %select_n3A_72 : i32 to index
        %swap3A_228 = arith.index_cast %add3A_176 : i32 to index
        %swap3A_229 = arith.constant 48 : index
        %swap3A_230 = tpu.vector_load %arg6[%swap3A_227, %swap3A_228, %swap3A_229] {strides = array<i32>} : memref<8x128x64xf32, #tpu.memory_space<vmem>>, vector<1x1x16xf32>,
        %swap3A_231 = vector.shape_cast %swap3A_230 : vector<1x1x16xf32> to vector<16xf32>
        %swap3A_232 = vector.shape_cast %mul3A_226 : vector<16xf32> to vector<1x1x16xf32>
        tpu.vector_store %arg6[%swap3A_227, %swap3A_228, %swap3A_229], %swap3A_232 {strides = array<i32>} : memref<8x128x64xf32, #tpu.memory_space<vmem>>, vector<1x1x16xf32>,
        %scan3A_233 = arith.constant 2 : i32
        %scan3A_234 = arith.addi %scan3A_112, %scan3A_233 : i32
        %mul3A_235 = arith.constant 1 : i32
        %mul3A_236 = arith.muli %scan3A_234, %mul3A_235 : i32
        %add3A_237 = arith.constant 0 : i32
        %add3A_238 = arith.addi %add3A_237, %mul3A_236 : i32
        %get3A_239 = arith.index_cast %select_n3A_72 : i32 to index
        %get3A_240 = arith.index_cast %add3A_238 : i32 to index
        %get3A_241 = arith.constant 0 : index
        %get3A_242 = tpu.vector_load %arg6[%get3A_239, %get3A_240, %get3A_241] {strides = array<i32>} : memref<8x128x64xf32, #tpu.memory_space<vmem>>, vector<1x1x16xf32>,
        %get3A_243 = vector.shape_cast %get3A_242 : vector<1x1x16xf32> to vector<16xf32>
        %mul3A_244 = arith.constant 8.000000e+00 : f32
        %mul3A_245 = vector.broadcast %mul3A_244 : f32 to vector<16xf32>
        %mul3A_246 = arith.mulf %get3A_243, %mul3A_245 : vector<16xf32>
        %swap3A_247 = arith.index_cast %select_n3A_72 : i32 to index
        %swap3A_248 = arith.index_cast %add3A_238 : i32 to index
        %swap3A_249 = arith.constant 0 : index
        %swap3A_250 = tpu.vector_load %arg6[%swap3A_247, %swap3A_248, %swap3A_249] {strides = array<i32>} : memref<8x128x64xf32, #tpu.memory_space<vmem>>, vector<1x1x16xf32>,
        %swap3A_251 = vector.shape_cast %swap3A_250 : vector<1x1x16xf32> to vector<16xf32>
        %swap3A_252 = vector.shape_cast %mul3A_246 : vector<16xf32> to vector<1x1x16xf32>
        tpu.vector_store %arg6[%swap3A_247, %swap3A_248, %swap3A_249], %swap3A_252 {strides = array<i32>} : memref<8x128x64xf32, #tpu.memory_space<vmem>>, vector<1x1x16xf32>,
        %get3A_253 = arith.index_cast %select_n3A_72 : i32 to index
        %get3A_254 = arith.index_cast %add3A_238 : i32 to index
        %get3A_255 = arith.constant 16 : index
        %get3A_256 = tpu.vector_load %arg6[%get3A_253, %get3A_254, %get3A_255] {strides = array<i32>} : memref<8x128x64xf32, #tpu.memory_space<vmem>>, vector<1x1x16xf32>,
        %get3A_257 = vector.shape_cast %get3A_256 : vector<1x1x16xf32> to vector<16xf32>
        %mul3A_258 = arith.constant 8.000000e+00 : f32
        %mul3A_259 = vector.broadcast %mul3A_258 : f32 to vector<16xf32>
        %mul3A_260 = arith.mulf %get3A_257, %mul3A_259 : vector<16xf32>
        %swap3A_261 = arith.index_cast %select_n3A_72 : i32 to index
        %swap3A_262 = arith.index_cast %add3A_238 : i32 to index
        %swap3A_263 = arith.constant 16 : index
        %swap3A_264 = tpu.vector_load %arg6[%swap3A_261, %swap3A_262, %swap3A_263] {strides = array<i32>} : memref<8x128x64xf32, #tpu.memory_space<vmem>>, vector<1x1x16xf32>,
        %swap3A_265 = vector.shape_cast %swap3A_264 : vector<1x1x16xf32> to vector<16xf32>
        %swap3A_266 = vector.shape_cast %mul3A_260 : vector<16xf32> to vector<1x1x16xf32>
        tpu.vector_store %arg6[%swap3A_261, %swap3A_262, %swap3A_263], %swap3A_266 {strides = array<i32>} : memref<8x128x64xf32, #tpu.memory_space<vmem>>, vector<1x1x16xf32>,
        %get3A_267 = arith.index_cast %select_n3A_72 : i32 to index
        %get3A_268 = arith.index_cast %add3A_238 : i32 to index
        %get3A_269 = arith.constant 32 : index
        %get3A_270 = tpu.vector_load %arg6[%get3A_267, %get3A_268, %get3A_269] {strides = array<i32>} : memref<8x128x64xf32, #tpu.memory_space<vmem>>, vector<1x1x16xf32>,
        %get3A_271 = vector.shape_cast %get3A_270 : vector<1x1x16xf32> to vector<16xf32>
        %mul3A_272 = arith.constant 8.000000e+00 : f32
        %mul3A_273 = vector.broadcast %mul3A_272 : f32 to vector<16xf32>
        %mul3A_274 = arith.mulf %get3A_271, %mul3A_273 : vector<16xf32>
        %swap3A_275 = arith.index_cast %select_n3A_72 : i32 to index
        %swap3A_276 = arith.index_cast %add3A_238 : i32 to index
        %swap3A_277 = arith.constant 32 : index
        %swap3A_278 = tpu.vector_load %arg6[%swap3A_275, %swap3A_276, %swap3A_277] {strides = array<i32>} : memref<8x128x64xf32, #tpu.memory_space<vmem>>, vector<1x1x16xf32>,
        %swap3A_279 = vector.shape_cast %swap3A_278 : vector<1x1x16xf32> to vector<16xf32>
        %swap3A_280 = vector.shape_cast %mul3A_274 : vector<16xf32> to vector<1x1x16xf32>
        tpu.vector_store %arg6[%swap3A_275, %swap3A_276, %swap3A_277], %swap3A_280 {strides = array<i32>} : memref<8x128x64xf32, #tpu.memory_space<vmem>>, vector<1x1x16xf32>,
        %get3A_281 = arith.index_cast %select_n3A_72 : i32 to index
        %get3A_282 = arith.index_cast %add3A_238 : i32 to index
        %get3A_283 = arith.constant 48 : index
        %get3A_284 = tpu.vector_load %arg6[%get3A_281, %get3A_282, %get3A_283] {strides = array<i32>} : memref<8x128x64xf32, #tpu.memory_space<vmem>>, vector<1x1x16xf32>,
        %get3A_285 = vector.shape_cast %get3A_284 : vector<1x1x16xf32> to vector<16xf32>
        %mul3A_286 = arith.constant 8.000000e+00 : f32
        %mul3A_287 = vector.broadcast %mul3A_286 : f32 to vector<16xf32>
        %mul3A_288 = arith.mulf %get3A_285, %mul3A_287 : vector<16xf32>
        %swap3A_289 = arith.index_cast %select_n3A_72 : i32 to index
        %swap3A_290 = arith.index_cast %add3A_238 : i32 to index
        %swap3A_291 = arith.constant 48 : index
        %swap3A_292 = tpu.vector_load %arg6[%swap3A_289, %swap3A_290, %swap3A_291] {strides = array<i32>} : memref<8x128x64xf32, #tpu.memory_space<vmem>>, vector<1x1x16xf32>,
        %swap3A_293 = vector.shape_cast %swap3A_292 : vector<1x1x16xf32> to vector<16xf32>
        %swap3A_294 = vector.shape_cast %mul3A_288 : vector<16xf32> to vector<1x1x16xf32>
        tpu.vector_store %arg6[%swap3A_289, %swap3A_290, %swap3A_291], %swap3A_294 {strides = array<i32>} : memref<8x128x64xf32, #tpu.memory_space<vmem>>, vector<1x1x16xf32>,
        %scan3A_295 = arith.constant 3 : i32
        %scan3A_296 = arith.addi %scan3A_112, %scan3A_295 : i32
        %mul3A_297 = arith.constant 1 : i32
        %mul3A_298 = arith.muli %scan3A_296, %mul3A_297 : i32
        %add3A_299 = arith.constant 0 : i32
        %add3A_300 = arith.addi %add3A_299, %mul3A_298 : i32
        %get3A_301 = arith.index_cast %select_n3A_72 : i32 to index
        %get3A_302 = arith.index_cast %add3A_300 : i32 to index
        %get3A_303 = arith.constant 0 : index
        %get3A_304 = tpu.vector_load %arg6[%get3A_301, %get3A_302, %get3A_303] {strides = array<i32>} : memref<8x128x64xf32, #tpu.memory_space<vmem>>, vector<1x1x16xf32>,
        %get3A_305 = vector.shape_cast %get3A_304 : vector<1x1x16xf32> to vector<16xf32>
        %mul3A_306 = arith.constant 8.000000e+00 : f32
        %mul3A_307 = vector.broadcast %mul3A_306 : f32 to vector<16xf32>
        %mul3A_308 = arith.mulf %get3A_305, %mul3A_307 : vector<16xf32>
        %swap3A_309 = arith.index_cast %select_n3A_72 : i32 to index
        %swap3A_310 = arith.index_cast %add3A_300 : i32 to index
        %swap3A_311 = arith.constant 0 : index
        %swap3A_312 = tpu.vector_load %arg6[%swap3A_309, %swap3A_310, %swap3A_311] {strides = array<i32>} : memref<8x128x64xf32, #tpu.memory_space<vmem>>, vector<1x1x16xf32>,
        %swap3A_313 = vector.shape_cast %swap3A_312 : vector<1x1x16xf32> to vector<16xf32>
        %swap3A_314 = vector.shape_cast %mul3A_308 : vector<16xf32> to vector<1x1x16xf32>
        tpu.vector_store %arg6[%swap3A_309, %swap3A_310, %swap3A_311], %swap3A_314 {strides = array<i32>} : memref<8x128x64xf32, #tpu.memory_space<vmem>>, vector<1x1x16xf32>,
        %get3A_315 = arith.index_cast %select_n3A_72 : i32 to index
        %get3A_316 = arith.index_cast %add3A_300 : i32 to index
        %get3A_317 = arith.constant 16 : index
        %get3A_318 = tpu.vector_load %arg6[%get3A_315, %get3A_316, %get3A_317] {strides = array<i32>} : memref<8x128x64xf32, #tpu.memory_space<vmem>>, vector<1x1x16xf32>,
        %get3A_319 = vector.shape_cast %get3A_318 : vector<1x1x16xf32> to vector<16xf32>
        %mul3A_320 = arith.constant 8.000000e+00 : f32
        %mul3A_321 = vector.broadcast %mul3A_320 : f32 to vector<16xf32>
        %mul3A_322 = arith.mulf %get3A_319, %mul3A_321 : vector<16xf32>
        %swap3A_323 = arith.index_cast %select_n3A_72 : i32 to index
        %swap3A_324 = arith.index_cast %add3A_300 : i32 to index
        %swap3A_325 = arith.constant 16 : index
        %swap3A_326 = tpu.vector_load %arg6[%swap3A_323, %swap3A_324, %swap3A_325] {strides = array<i32>} : memref<8x128x64xf32, #tpu.memory_space<vmem>>, vector<1x1x16xf32>,
        %swap3A_327 = vector.shape_cast %swap3A_326 : vector<1x1x16xf32> to vector<16xf32>
        %swap3A_328 = vector.shape_cast %mul3A_322 : vector<16xf32> to vector<1x1x16xf32>
        tpu.vector_store %arg6[%swap3A_323, %swap3A_324, %swap3A_325], %swap3A_328 {strides = array<i32>} : memref<8x128x64xf32, #tpu.memory_space<vmem>>, vector<1x1x16xf32>,
        %get3A_329 = arith.index_cast %select_n3A_72 : i32 to index
        %get3A_330 = arith.index_cast %add3A_300 : i32 to index
        %get3A_331 = arith.constant 32 : index
        %get3A_332 = tpu.vector_load %arg6[%get3A_329, %get3A_330, %get3A_331] {strides = array<i32>} : memref<8x128x64xf32, #tpu.memory_space<vmem>>, vector<1x1x16xf32>,
        %get3A_333 = vector.shape_cast %get3A_332 : vector<1x1x16xf32> to vector<16xf32>
        %mul3A_334 = arith.constant 8.000000e+00 : f32
        %mul3A_335 = vector.broadcast %mul3A_334 : f32 to vector<16xf32>
        %mul3A_336 = arith.mulf %get3A_333, %mul3A_335 : vector<16xf32>
        %swap3A_337 = arith.index_cast %select_n3A_72 : i32 to index
        %swap3A_338 = arith.index_cast %add3A_300 : i32 to index
        %swap3A_339 = arith.constant 32 : index
        %swap3A_340 = tpu.vector_load %arg6[%swap3A_337, %swap3A_338, %swap3A_339] {strides = array<i32>} : memref<8x128x64xf32, #tpu.memory_space<vmem>>, vector<1x1x16xf32>,
        %swap3A_341 = vector.shape_cast %swap3A_340 : vector<1x1x16xf32> to vector<16xf32>
        %swap3A_342 = vector.shape_cast %mul3A_336 : vector<16xf32> to vector<1x1x16xf32>
        tpu.vector_store %arg6[%swap3A_337, %swap3A_338, %swap3A_339], %swap3A_342 {strides = array<i32>} : memref<8x128x64xf32, #tpu.memory_space<vmem>>, vector<1x1x16xf32>,
        %get3A_343 = arith.index_cast %select_n3A_72 : i32 to index
        %get3A_344 = arith.index_cast %add3A_300 : i32 to index
        %get3A_345 = arith.constant 48 : index
        %get3A_346 = tpu.vector_load %arg6[%get3A_343, %get3A_344, %get3A_345] {strides = array<i32>} : memref<8x128x64xf32, #tpu.memory_space<vmem>>, vector<1x1x16xf32>,
        %get3A_347 = vector.shape_cast %get3A_346 : vector<1x1x16xf32> to vector<16xf32>
        %mul3A_348 = arith.constant 8.000000e+00 : f32
        %mul3A_349 = vector.broadcast %mul3A_348 : f32 to vector<16xf32>
        %mul3A_350 = arith.mulf %get3A_347, %mul3A_349 : vector<16xf32>
        %swap3A_351 = arith.index_cast %select_n3A_72 : i32 to index
        %swap3A_352 = arith.index_cast %add3A_300 : i32 to index
        %swap3A_353 = arith.constant 48 : index
        %swap3A_354 = tpu.vector_load %arg6[%swap3A_351, %swap3A_352, %swap3A_353] {strides = array<i32>} : memref<8x128x64xf32, #tpu.memory_space<vmem>>, vector<1x1x16xf32>,
        %swap3A_355 = vector.shape_cast %swap3A_354 : vector<1x1x16xf32> to vector<16xf32>
        %swap3A_356 = vector.shape_cast %mul3A_350 : vector<16xf32> to vector<1x1x16xf32>
        tpu.vector_store %arg6[%swap3A_351, %swap3A_352, %swap3A_353], %swap3A_356 {strides = array<i32>} : memref<8x128x64xf32, #tpu.memory_space<vmem>>, vector<1x1x16xf32>,
      }
      %scan3A_91 = arith.constant 128 : i32
      %mul3A_92 = arith.constant 128 : i32
      %mul3A_93 = arith.muli %add3A_63, %mul3A_92 : i32
      %add3A_94 = arith.addi %mul3A_2, %mul3A_93 : i32
      %dma_start3A_95 = arith.constant 0 : i32
      %dma_start3A_96 = arith.constant 0 : i32
      %dma_start3A_97 = tpu.memref_slice %arg6[%select_n3A_72, %dma_start3A_95, %dma_start3A_96] : memref<8x128x64xf32, #tpu.memory_space<vmem>> -> memref<1x128x64xf32, #tpu.memory_space<vmem>>
      %dma_start3A_98 = tpu.memref_squeeze %dma_start3A_97 : memref<1x128x64xf32, #tpu.memory_space<vmem>> -> memref<128x64xf32, #tpu.memory_space<vmem>>
      %dma_start3A_99 = arith.constant 0 : i32
      %dma_start3A_100 = tpu.memref_slice %arg4[%add3A_94, %dma_start3A_99] : memref<819200x128xf32, #tpu.memory_space<hbm>> -> memref<128x64xf32, #tpu.memory_space<hbm>>
      %dma_start3A_101 = arith.constant 0 : i32
      %dma_start3A_102 = tpu.memref_slice %arg4[%add3A_94, %dma_start3A_101] : memref<819200x128xf32, #tpu.memory_space<hbm>> -> memref<128x64xf32, #tpu.memory_space<hbm>>
      %dma_start3A_103 = arith.constant 0 : i32
      %dma_start3A_104 = arith.constant 0 : i32
      %dma_start3A_105 = tpu.memref_slice %arg6[%select_n3A_72, %dma_start3A_103, %dma_start3A_104] : memref<8x128x64xf32, #tpu.memory_space<vmem>> -> memref<1x128x64xf32, #tpu.memory_space<vmem>>
      %dma_start3A_106 = tpu.memref_squeeze %dma_start3A_105 : memref<1x128x64xf32, #tpu.memory_space<vmem>> -> memref<128x64xf32, #tpu.memory_space<vmem>>
      tpu.enqueue_dma source(%dma_start3A_106 : memref<128x64xf32, #tpu.memory_space<vmem>>) target(%dma_start3A_102 : memref<128x64xf32, #tpu.memory_space<hbm>>) target_semaphore(%arg8 : memref<!tpu.dma_semaphore, #tpu.memory_space<semaphore_mem>>)
      %add3A_107 = arith.constant 4 : i32
      %add3A_108 = arith.addi %add3A_63, %add3A_107 : i32
      %lt3A_109 = arith.constant 200 : i32
      %lt3A_110 = arith.cmpi slt, %add3A_108, %lt3A_109 : i32
      %convert_element_type3A = arith.extui %lt3A_110 : i1 to i32
      %cond3A = arith.constant 0 : i32
      %cond3A_111 = arith.cmpi ne, %convert_element_type3A, %cond3A : i32
      scf.if %cond3A_111 {
        %ge3A = arith.constant 4 : i32
        %ge3A_112 = arith.cmpi sge, %add3A_63, %ge3A : i32
        %convert_element_type3A_113 = arith.extui %ge3A_112 : i1 to i32
        %cond3A_114 = arith.constant 0 : i32
        %cond3A_115 = arith.cmpi ne, %convert_element_type3A_113, %cond3A_114 : i32
        scf.if %cond3A_115 {
          %dma_wait3A_142 = arith.constant 0 : i32
          %dma_wait3A_143 = arith.constant 0 : i32
          %dma_wait3A_144 = arith.constant 0 : i32
          %dma_wait3A_145 = tpu.memref_slice %arg6[%dma_wait3A_142, %dma_wait3A_143, %dma_wait3A_144] : memref<8x128x64xf32, #tpu.memory_space<vmem>> -> memref<1x128x64xf32, #tpu.memory_space<vmem>>
          %dma_wait3A_146 = tpu.memref_squeeze %dma_wait3A_145 : memref<1x128x64xf32, #tpu.memory_space<vmem>> -> memref<128x64xf32, #tpu.memory_space<vmem>>
          %dma_wait3A_147 = arith.constant 0 : i32
          %dma_wait3A_148 = arith.constant 0 : i32
          %dma_wait3A_149 = tpu.memref_slice %arg4[%dma_wait3A_147, %dma_wait3A_148] : memref<819200x128xf32, #tpu.memory_space<hbm>> -> memref<128x64xf32, #tpu.memory_space<hbm>>
          %dma_wait3A_150 = arith.constant 0 : i32
          %dma_wait3A_151 = arith.constant 0 : i32
          %dma_wait3A_152 = tpu.memref_slice %arg4[%dma_wait3A_150, %dma_wait3A_151] : memref<819200x128xf32, #tpu.memory_space<hbm>> -> memref<128x64xf32, #tpu.memory_space<hbm>>
          %dma_wait3A_153 = arith.constant 0 : i32
          %dma_wait3A_154 = arith.constant 0 : i32
          %dma_wait3A_155 = tpu.memref_slice %arg6[%dma_wait3A_142, %dma_wait3A_153, %dma_wait3A_154] : memref<8x128x64xf32, #tpu.memory_space<vmem>> -> memref<1x128x64xf32, #tpu.memory_space<vmem>>
          %dma_wait3A_156 = tpu.memref_squeeze %dma_wait3A_155 : memref<1x128x64xf32, #tpu.memory_space<vmem>> -> memref<128x64xf32, #tpu.memory_space<vmem>>
          tpu.wait_dma2 semaphore(%arg8 : memref<!tpu.dma_semaphore, #tpu.memory_space<semaphore_mem>>) src(%dma_wait3A_156 : memref<128x64xf32, #tpu.memory_space<vmem>>) dst(%dma_wait3A_152 : memref<128x64xf32, #tpu.memory_space<hbm>>)
        } else {
        }
        %jit3A_116 = arith.constant 8 : i32
        %eq3A_117 = arith.constant 0 : i32
        %eq3A_118 = arith.cmpi eq, %jit3A_116, %eq3A_117 : i32
        %jit3A_119 = arith.constant 1 : i32
        %select_n3A_120 = arith.select %eq3A_118, %jit3A_119, %jit3A_116 : i32
        %rem3A_121 = arith.remsi %add3A_108, %select_n3A_120 : i32
        %ne3A_122 = arith.constant 0 : i32
        %ne3A_123 = arith.cmpi ne, %rem3A_121, %ne3A_122 : i32
        %lt3A_124 = arith.constant 0 : i32
        %lt3A_125 = arith.cmpi slt, %rem3A_121, %lt3A_124 : i32
        %lt3A_126 = arith.constant 0 : i32
        %lt3A_127 = arith.cmpi slt, %select_n3A_120, %lt3A_126 : i32
        %ne3A_128 = arith.xori %lt3A_125, %lt3A_127 : i1
        %and3A_129 = arith.andi %ne3A_128, %ne3A_123 : i1
        %add3A_130 = arith.addi %rem3A_121, %select_n3A_120 : i32
        %select_n3A_131 = arith.select %and3A_129, %add3A_130, %rem3A_121 : i32
        %dma_start3A_132 = arith.constant 0 : i32
        %dma_start3A_133 = arith.constant 0 : i32
        %dma_start3A_134 = tpu.memref_slice %arg6[%select_n3A_131, %dma_start3A_132, %dma_start3A_133] : memref<8x128x64xf32, #tpu.memory_space<vmem>> -> memref<1x128x64xf32, #tpu.memory_space<vmem>>
        %dma_start3A_135 = tpu.memref_squeeze %dma_start3A_134 : memref<1x128x64xf32, #tpu.memory_space<vmem>> -> memref<128x64xf32, #tpu.memory_space<vmem>>
        %dma_start3A_136 = arith.constant 0 : i32
        %dma_start3A_137 = tpu.memref_slice %arg5[%add3A_108, %dma_start3A_136] : memref<200x128xi32, #tpu.memory_space<vmem>> -> memref<1x128xi32, #tpu.memory_space<vmem>>
        %dma_start3A_138 = tpu.memref_squeeze %dma_start3A_137 : memref<1x128xi32, #tpu.memory_space<vmem>> -> memref<128xi32, #tpu.memory_space<vmem>>
        %dma_start3A_139 = arith.constant 0 : i32
        %dma_start3A_140 = arith.constant 0 : i32
        %dma_start3A_141 = tpu.memref_slice %arg3[%dma_start3A_139, %dma_start3A_140] : memref<1000000x64xf32, #tpu.memory_space<hbm>> -> memref<1000000x64xf32, #tpu.memory_space<hbm>>
        tpu.enqueue_indirect_dma source(%dma_start3A_141 : memref<1000000x64xf32, #tpu.memory_space<hbm>>) target(%dma_start3A_135 : memref<128x64xf32, #tpu.memory_space<vmem>>) offsets(%dma_start3A_138 : memref<128xi32, #tpu.memory_space<vmem>>) semaphore(%arg7 : memref<!tpu.dma_semaphore, #tpu.memory_space<semaphore_mem>>)
      } else {
      }
    }
    %scan3A_53 = arith.constant 200 : i32
    %scan3A_54 = arith.constant 0 : i32
    %scan3A_55 = arith.constant 8 : i32
    %scan3A_56 = arith.addi %scan3A_54, %scan3A_55 : i32
    %scan3A_57 = arith.constant 1 : i32
    scf.for %scan3A_59 = %scan3A_54 to %scan3A_56 step %scan3A_57  : i32 {
      %mul3A_60 = arith.constant 1 : i32
      %mul3A_61 = arith.muli %scan3A_59, %mul3A_60 : i32
      %add3A_62 = arith.constant 0 : i32
      %add3A_63 = arith.addi %add3A_62, %mul3A_61 : i32
      %dma_wait3A = arith.constant 0 : i32
      %dma_wait3A_64 = arith.constant 0 : i32
      %dma_wait3A_65 = arith.constant 0 : i32
      %dma_wait3A_66 = tpu.memref_slice %arg6[%dma_wait3A, %dma_wait3A_64, %dma_wait3A_65] : memref<8x128x64xf32, #tpu.memory_space<vmem>> -> memref<1x128x64xf32, #tpu.memory_space<vmem>>
      %dma_wait3A_67 = tpu.memref_squeeze %dma_wait3A_66 : memref<1x128x64xf32, #tpu.memory_space<vmem>> -> memref<128x64xf32, #tpu.memory_space<vmem>>
      %dma_wait3A_68 = arith.constant 0 : i32
      %dma_wait3A_69 = arith.constant 0 : i32
      %dma_wait3A_70 = tpu.memref_slice %arg4[%dma_wait3A_68, %dma_wait3A_69] : memref<819200x128xf32, #tpu.memory_space<hbm>> -> memref<128x64xf32, #tpu.memory_space<hbm>>
      %dma_wait3A_71 = arith.constant 0 : i32
      %dma_wait3A_72 = arith.constant 0 : i32
      %dma_wait3A_73 = tpu.memref_slice %arg4[%dma_wait3A_71, %dma_wait3A_72] : memref<819200x128xf32, #tpu.memory_space<hbm>> -> memref<128x64xf32, #tpu.memory_space<hbm>>
      %dma_wait3A_74 = arith.constant 0 : i32
      %dma_wait3A_75 = arith.constant 0 : i32
      %dma_wait3A_76 = tpu.memref_slice %arg6[%dma_wait3A, %dma_wait3A_74, %dma_wait3A_75] : memref<8x128x64xf32, #tpu.memory_space<vmem>> -> memref<1x128x64xf32, #tpu.memory_space<vmem>>
      %dma_wait3A_77 = tpu.memref_squeeze %dma_wait3A_76 : memref<1x128x64xf32, #tpu.memory_space<vmem>> -> memref<128x64xf32, #tpu.memory_space<vmem>>
      tpu.wait_dma2 semaphore(%arg8 : memref<!tpu.dma_semaphore, #tpu.memory_space<semaphore_mem>>) src(%dma_wait3A_77 : memref<128x64xf32, #tpu.memory_space<vmem>>) dst(%dma_wait3A_73 : memref<128x64xf32, #tpu.memory_space<hbm>>)
    }
    %scan3A_58 = arith.constant 8 : i32
    return
  }
}

</mosaic_0001>

<sc_bundles>
// kernel: kernel.3.cloned.1.call-start
scs
__scs_entry_jumppad:
0x0: {  	(pc) =	sbr.rel $0x88, $3  }
0x1: {  	(tag) =	ssettag $0x0;
	lr =	simm.s32 $0x1  }
0x2: {  	[smem:$0x3F9F] =	sst lr;
	_ =	strace $0xD0000000  }
0x3: {  	_ = 	snop  }
0x4: {  	_ = 	snop  }
0x5: {  	_ = 	snop  }
0x6: {  	_ = 	snop  }
0x7: {  	_ = 	snop  }
__scs_overlays_trampoline_lowered:
0x8: {  	[smem:$0x3FAE] =	sst s0  }
0x9: {  	[smem:$0x3FAF] =	sst s1  }
0xa: {  	[smem:$0x3FB0] =	sst s2  }
0xb: {  	[smem:$0x3FB1] =	sst s3  }
0xc: {  	[smem:$0x3FB2] =	sst s4  }
0xd: {  	[smem:$0x3FB3] =	sst s5  }
0xe: {  	[smem:$0x3FB4] =	sst s6  }
0xf: {  	[smem:$0x3FB5] =	sst s7  }
0x10: {  	[smem:$0x3FB6] =	sst s8  }
0x11: {  	[smem:$0x3FB7] =	sst s9;
	s0 =	simm.s32 @!p0 $0x0  }
0x12: {  	s1 =	sld [smem:$0x3F9D];
	s0 =	simm.s32 @p0 $0x1  }
0x13: {  	[smem:$0x3FB8] =	sst s0;
	s0 =	simm.s32 @!p1 $0x0  }
0x14: {  	s2 =	sld [smem:$0x3F9C];
	s0 =	simm.s32 @p1 $0x1  }
0x15: {  	[smem:$0x3FB9] =	sst s0;
	s0 =	simm.s32 @!p2 $0x0  }
0x16: {  	s3 =	sld [smem:$0x3FDB];
	s0 =	simm.s32 @p2 $0x1  }
0x17: {  	s4 =	simm.s32 $0x1BF5;
	[smem:$0x3FBB] =	sst s0  }
0x18: {  	s0 =	sld [smem:$0x3F9E];
	_ =	swait.ge [sflag:s4], $0x0  }
0x19: {  	s7 =	sld [smem:$0x3F9F]  }
0x1a: {  	s8 =	sadd.s32 $0xFFFFE003, lr  }
0x1b: {  	s9 =	sadd.s32 $0xFFFFFEF7, lr;
	s5 =	simm.s32 $0xFFFFFFFF;
	p2 =	slt.u32 s8, $0xFFFFF086  }
0x1c: {  	p1 =	slt.u32 s9, $0xF7A;
	s5 =	simm.s32 @!p2 $0x0  }
0x1d: {  	s5 =	simm.s32 @p1 $0x1;
	p0 =	seq.s32 s7, s2  }
0x1e: {  	s7 =	smul.u32 @!p0 $0xF7A, s2;
	p2 =	seq.s32 @!p0 s5, $0x0  }
0x1f: {  	s9 =	smul.u32 $0xF7A, s1;
	s8 =	simm.s32 @!p0 $0x1BF5;
	p2 =	por !p2, p0  }
0x20: {  	[sflag:s8] =	ssyncset.s32 @!p0 $0xFFFFF086;
	s6 =	sadd.s32 @!p0 s3, s7;
	s7 =	simm.s32 @!p0 $0x108  }
0x21: {  	s3 =	sadd.s32 s3, s9;
	s6 =	sadd.s32 @!p0 $0x88, s6;
	s7 =	simm.s32 @p2 $0x1082  }
0x22: {  	[simem:s7], [sflag:s8] =	dma.local @!p0 [hbm:s6], $0xF7A  }
0x23: {  	s9 =	sor.u32 $0xD0000000, s2;
	s6 =	simm.s32 $0x108;
	_ =	swait.ge @!p0 [sflag:s8], $0x0  }
0x24: {  	s3 =	sadd.s32 $0x88, s3;
	s6 =	simm.s32 @!p1 $0x1082;
	[sflag:s4] =	ssyncset.s32 $0xFFFFF086  }
0x25: {  	[simem:s6], [sflag:s4] =	dma.local [hbm:s3], $0xF7A  }
0x26: {  	[smem:$0x3F9F] =	sst s1;
	(tag) =	ssettag s2;
	_ =	strace s9  }
0x27: {  	s1 =	sld [smem:$0x3FAF]  }
0x28: {  	s2 =	sld [smem:$0x3FB0]  }
0x29: {  	s4 =	sld [smem:$0x3FB2]  }
0x2a: {  	p0 =	seq.s32 s5, $0x0;
	s5 =	sld [smem:$0x3FB3]  }
0x2b: {  	s6 =	sld [smem:$0x3FB4]  }
0x2c: {  	s7 =	sld [smem:$0x3FB5]  }
0x2d: {  	s3 =	simm.s32 $0x108;
	s8 =	sld [smem:$0x3FB6]  }
0x2e: {  	s3 =	simm.s32 @!p0 $0x1082;
	s9 =	sld [smem:$0x3FB7]  }
0x2f: {  	lr =	sadd.s32 s0, s3;
	s0 =	sld [smem:$0x3FAE]  }
0x30: {  	s3 =	sld [smem:$0x3FB1]  }
0x31: {  	[smem:$0x3FBA] =	sst s10  }
0x32: {  	s10 =	sld [smem:$0x3FB8];
	_ =	sdelay $0x3  }
0x33: {  	p0 =	seq.s32 s10, $0x1;
	s10 =	sld [smem:$0x3FBA];
	_ =	sdelay $0x3  }
0x34: {  	[smem:$0x3FBA] =	sst s10  }
0x35: {  	s10 =	sld [smem:$0x3FB9];
	_ =	sdelay $0x3  }
0x36: {  	p1 =	seq.s32 s10, $0x1;
	s10 =	sld [smem:$0x3FBA];
	_ =	sdelay $0x3  }
0x37: {  	[smem:$0x3FBA] =	sst s10  }
0x38: {  	s10 =	sld [smem:$0x3FBB]  }
0x39: {  	_ = 	snop;
	(pc) =	sbr.ind lr, $3  }
0x3a: {  	_ = 	snop  }
0x3b: {  	_ = 	snop  }
0x3c: {  	p2 =	seq.s32 s10, $0x1;
	s10 =	sld [smem:$0x3FBA]  }
0x3d: {  	_ =	shalt  }
0x3e: {  	_ =	shalt  }
0x3f: {  	_ =	shalt  }
0x40: {  	_ =	shalt  }
0x41: {  	_ =	shalt  }
0x42: {  	_ =	shalt  }
0x43: {  	_ =	shalt  }
0x44: {  	_ =	shalt  }
0x45: {  	_ =	shalt  }
0x46: {  	_ =	shalt  }
0x47: {  	_ =	shalt  }
0x48: {  	_ =	shalt  }
0x49: {  	_ =	shalt  }
0x4a: {  	_ =	shalt  }
0x4b: {  	_ =	shalt  }
0x4c: {  	_ =	shalt  }
0x4d: {  	_ =	shalt  }
0x4e: {  	_ =	shalt  }
0x4f: {  	_ =	shalt  }
0x50: {  	_ =	shalt  }
0x51: {  	_ =	shalt  }
0x52: {  	_ =	shalt  }
0x53: {  	_ =	shalt  }
0x54: {  	_ =	shalt  }
0x55: {  	_ =	shalt  }
0x56: {  	_ =	shalt  }
0x57: {  	_ =	shalt  }
0x58: {  	_ =	shalt  }
0x59: {  	_ =	shalt  }
0x5a: {  	_ =	shalt  }
0x5b: {  	_ =	shalt  }
0x5c: {  	_ =	shalt  }
0x5d: {  	_ =	shalt  }
0x5e: {  	_ =	shalt  }
0x5f: {  	_ =	shalt  }
0x60: {  	_ =	shalt  }
0x61: {  	_ =	shalt  }
0x62: {  	_ =	shalt  }
0x63: {  	_ =	shalt  }
0x64: {  	_ =	shalt  }
0x65: {  	_ =	shalt  }
0x66: {  	_ =	shalt  }
0x67: {  	_ =	shalt  }
0x68: {  	_ =	shalt  }
0x69: {  	_ =	shalt  }
0x6a: {  	_ =	shalt  }
0x6b: {  	_ =	shalt  }
0x6c: {  	_ =	shalt  }
0x6d: {  	_ =	shalt  }
0x6e: {  	_ =	shalt  }
0x6f: {  	_ =	shalt  }
0x70: {  	_ =	shalt  }
0x71: {  	_ =	shalt  }
0x72: {  	_ =	shalt  }
0x73: {  	_ =	shalt  }
0x74: {  	_ =	shalt  }
0x75: {  	_ =	shalt  }
0x76: {  	_ =	shalt  }
0x77: {  	_ =	shalt  }
0x78: {  	_ =	shalt  }
0x79: {  	_ =	shalt  }
0x7a: {  	_ =	shalt  }
0x7b: {  	_ =	shalt  }
0x7c: {  	_ =	shalt  }
0x7d: {  	_ =	shalt  }
0x7e: {  	_ =	shalt  }
0x7f: {  	_ =	shalt  }
0x80: {  	_ =	shalt  }
0x81: {  	_ =	shalt  }
0x82: {  	_ =	shalt  }
0x83: {  	_ =	shalt  }
0x84: {  	_ =	shalt  }
0x85: {  	_ =	shalt  }
0x86: {  	_ =	shalt  }
0x87: {  	_ =	shalt  }
.Lfunc_end0:
.L_simem_size_0:
called_computation.1_lowered:
.L_overlay_start_0:
0x88: {  	s2 =	sld [smem:$0x3FD9]  }
0x89: {  	s3 =	sld [smem:$0x3FFE];
	_ =	sdelay $0x1  }
0x8a: {  	s1 =	srdreg.scid  }
0x8b: {  	s0 =	sand.u32 $0x1, s1  }
0x8c: {  	s17 =	sshll.u32 s0, $0xA;
	s2 =	sadd.s32 s3, s2  }
0x8d: {  	s2 =	sadd.s32 s2, s17  }
0x8e: {  	[smem:$0x3FC6] =	sst s2  }
0x8f: {  	_ = 	snop  }
0x90: {  	s2 =	sld [smem:$0x3FD0];
	(tm) =	ssettm $0x1  }
0x91: {  	s18 =	sld [smem:$0x3FFB];
	_ =	sdelay $0x3  }
0x92: {  	_ =	strace s18  }
0x93: {  	s3 =	sld [smem:$0x3FFC];
	_ =	sdelay $0x3  }
0x94: {  	_ =	strace s3  }
0x95: {  	s3 =	sld [smem:$0x3FFD];
	_ =	sdelay $0x3  }
0x96: {  	_ =	strace s3  }
0x97: {  	_ =	strace $0x8FFFFFFF  }
0x98: {  	s19 =	sld [smem:$0x3FDB];
	_ =	sdelay $0x1  }
0x99: {  	s4 =	simm.s32 $_scs_section_size  }
0x9a: {  	s5 =	simm.s32 $_size__tile_overlayer_lowered;
	s6 =	simm.s32 $_tile_overlayer_lowered  }
0x9b: {  	s22 =	simm.s32 $0x1BFF;
	s21 =	sshll.u32 s6, $0x1;
	s3 =	sadd.s32 s4, s19  }
0x9c: {  	s7 =	simm.s32 $0x0;
	s20 =	sshll.u32 s5, $0x1;
	s5 =	sadd.s32 s21, s3  }
0x9d: {  	[timem:s7], [sflag:s22] =	dma.local [hbm:s5], s20  }
0x9e: {  	_ =	swait.ge [sflag:s22], s20  }
0x9f: {  	s4 =	ssub.s32 $0x0, s20;
	[sflag:s22] =	ssyncset.done $0x0  }
0xa0: {  	[sflag:s22] =	ssyncadd.s32 s4;
	_ =	sdelay $0x1  }
0xa1: {  	s23 =	simm.s32 $0x1B8B  }
0xa2: {  	_ =	swait.ge [sflag:s23], $0x1  }
0xa3: {  	[sflag:s23] =	ssyncset.done $0x0  }
0xa4: {  	s25 =	simm.s32 $0x1B8E;
	s24 =	sld [smem:$0x3FFE];
	[sflag:s23] =	ssyncadd.s32 $0xFFFFFFFF  }
0xa5: {  	s26 =	simm.s32 $execute0_lowered;
	[smem:$0x3FD2] =	sst s25  }
0xa6: {  	s5 =	sshll.u32 s26, $0x1;
	_ =	strace $0x80000046;
	[dreg:$0x1] =	wrdreg $0xFFFFFFFF  }
0xa7: {  	s28 =	simm.s32 $_size_execute0_lowered;
	s3 =	sadd.s32 s3, s5;
	[dreg:$0x0] =	wrdreg $0x0  }
0xa8: {  	s5 =	sshll.u32 s28, $0x1;
	[dreg:$0x2] =	wrdreg s3  }
0xa9: {  	[dreg:$0x3] =	wrdreg s5  }
0xaa: {  	[dreg:$0x4] =	wrdreg $0xC0  }
0xab: {  	_ =	task [dreg:s7], $0x5FFFF  }
0xac: {  	[dreg:$0x1] =	wrdreg $0xFFFFFFFF  }
0xad: {  	[dreg:$0x0] =	wrdreg $0x60  }
0xae: {  	[dreg:$0x2] =	wrdreg s2  }
0xaf: {  	[dreg:$0x3] =	wrdreg s24  }
0xb0: {  	[dreg:$0x4] =	wrdreg $0x9  }
0xb1: {  	_ =	task.clear_ibuf [dreg:s7], $0x5FFFF;
	_ =	strace $0x90000046  }
0xb2: {  	s29 =	simm.s32 $0x9;
	_ =	strace $0x80000048  }
0xb3: {  	_ =	swait.ge [sflag:s29], $0x1  }
0xb4: {  	[sflag:s29] =	ssyncadd.s32 $0xFFFFFFFF  }
0xb5: {  	_ =	strace $0x90000048  }
0xb6: {  	_ =	sfence  }
0xb7: {  	s30 =	sld [smem:$0x0];
	_ =	sdelay $0x2  }
0xb8: {  	s31 =	sshll.u32 s1, $0xD;
	s1 =	sshrl.u32 s1, $0x2  }
0xb9: {  	s3 =	sand.u32 $0x4000, s31;
	s1 =	sadd.s32 s1, s30  }
0xba: {  	s0 =	sor.u32 s3, s0;
	s1 =	sshll.u32 s1, $0x11  }
0xbb: {  	s0 =	sor.u32 s1, s0  }
0xbc: {  	s0 =	sadd.s32 $0x8F2B, s0  }
0xbd: {  	[sflag:s0] =	ssyncadd.remote.s32 $0x1  }
0xbe: {  	_ =	sfence.sel $0xFFFF  }
0xbf: {  	[dreg:$0x0] =	wrdreg $0xFFFFFFFF;
	(pc) =	sbr.abs _section_cstart, $3  }
0xc0: {  	[dreg:$0x1] =	wrdreg $0xFFFFFFFF  }
0xc1: {  	_ =	task.clear_ibuf [dreg:s7], $0x2FFFF;
	_ =	strace $0x9FFFFFFF  }
0xc2: {  	(tm) =	ssettm $0x7FFFFFFF  }
0xc3: {  	_ =	shalt  }
tec
execute0_lowered:
.L_overlay_start_1:
0x0: {  	(tag) =	ssettag $0x1  }
0x1: {  	s5 =	rddreg [dreg:$0x0]  }
0x2: {  	s4 =	rddreg [dreg:$0x1]  }
0x3: {  	s0 =	rddreg [dreg:$0x2]  }
0x4: {  	s3 =	srdreg.scid;
	s1 =	stileid.u32  }
0x5: {  	s2 =	simm.s32 $0x0;
	s10 =	simm.s32 $0x6400;
	s11 =	simm.s32 $0x8400  }
0x6: {  	s12 =	simm.s32 $0x100;
	s13 =	simm.s32 $0xA400;
	s14 =	simm.s32 $0x180  }
0x7: {  	s15 =	simm.s32 $0xC400;
	s16 =	simm.s32 $0x1;
	s17 =	simm.s32 $0x40  }
0x8: {  	s18 =	simm.s32 $0x2;
	s19 =	simm.s32 $0x0;
	s3 =	sand.u32 $0x1, s3  }
0x9: {  	s6 =	sshll.u32 s1, $0x1;
	[smem:$0x7FF] =	sst s2;
	s7 =	ssub.s32 $0x2, s3  }
0xa: {  	s6 =	sor.u32 s3, s6;
	_ =	strace $0x80000047;
	s3 =	sadd.s32 $0xF42E00, s4  }
0xb: {  	s4 =	sadd.s32 $0xA00, s4;
	s8 =	sshrl.u32 s7, $0x1;
	s9 =	smul.u32 $0xC80, s6  }
0xc: {  	s6 =	smul.u32 $0x320000, s6;
	s7 =	ssub.s32 s7, s8;
	s8 =	simm.s32 $0x3  }
0xd: {  	s5 =	sadd.s32 s5, s9;
	s7 =	smax.u32 s7, $0x1;
	s9 =	simm.s32 $0x80  }
.LBB2_1:
0xe: {  	[tilespmem:s2], [sflag:$0x3] =	stream.linear.gather [hbm4b:s5+s2], $0x6400, $0x38;
	[tilespmem:$0x16400] =	vst v63  }
0xf: {  	_ =	swait.ge [sflag:s8], $0x6400  }
0x10: {  	[sflag:s8] =	ssyncset.done $0x0  }
0x11: {  	[sflag:s8] =	ssyncadd.s32 $0xFFFF9C00  }
0x12: {  	[tilespmem:s10], [sflag:$0x1] =	stream.indirect.gather [hbm4b:s3+s9], $0x40, s2, s9, $0xb8;
	[tilespmem:$0x16400] =	vst v63  }
0x13: {  	_ = 	snop  }
0x14: {  	[tilespmem:s11], [sflag:$0x1] =	stream.indirect.gather [hbm4b:s3+s9], $0x40, s9, s9, $0xb8;
	[tilespmem:$0x16400] =	vst v63  }
0x15: {  	_ = 	snop  }
0x16: {  	[tilespmem:s13], [sflag:$0x1] =	stream.indirect.gather [hbm4b:s3+s9], $0x40, s12, s9, $0xb8;
	[tilespmem:$0x16400] =	vst v63  }
0x17: {  	s20 =	simm.s32 $0x0;
	s21 =	simm.s32 $0x0  }
0x18: {  	[tilespmem:s15], [sflag:$0x1] =	stream.indirect.gather [hbm4b:s3+s9], $0x40, s14, s9, $0xb8;
	[tilespmem:$0x16400] =	vst v63  }
.LBB2_2:
0x19: {  	s22 =	sand.u32 $0x7, s20;
	_ =	swait.ge [sflag:s16], $0x2000  }
0x1a: {  	s22 =	sshll.u32 s22, $0xD;
	[sflag:s16] =	ssyncset.done $0x0  }
0x1b: {  	s22 =	sadd.s32 $0x6480, s22;
	[sflag:s16] =	ssyncadd.s32 $0xFFFFE000  }
0x1c: {  	v0 =	vld [tilespmem:s22+$0xFFFFFF80]  }
0x1d: {  	v1 =	vld [tilespmem:s22+$0xFFFFFF90]  }
0x1e: {  	v2 =	vld [tilespmem:s22+$0xFFFFFFA0]  }
0x1f: {  	v3 =	vld [tilespmem:s22+$0xFFFFFFB0]  }
0x20: {  	v4 =	vld [tilespmem:s22+$0xFFFFFFC0]  }
0x21: {  	v5 =	vld [tilespmem:s22+$0xFFFFFFD0];
	v0 =	vmul.f32 $8.000000000e+00, v0  }
0x22: {  	v6 =	vld [tilespmem:s22+$0xFFFFFFE0];
	v1 =	vmul.f32 $8.000000000e+00, v1  }
0x23: {  	[tilespmem:s22+$0xFFFFFF80] =	vst v0;
	v0 =	vmul.f32 $8.000000000e+00, v2;
	v2 =	vld [tilespmem:s22+$0x0]  }
0x24: {  	[tilespmem:s22+$0xFFFFFF90] =	vst v1;
	v1 =	vmul.f32 $8.000000000e+00, v3;
	v3 =	vld [tilespmem:s22+$0x10]  }
0x25: {  	[tilespmem:s22+$0xFFFFFFA0] =	vst v0;
	v0 =	vmul.f32 $8.000000000e+00, v4;
	v4 =	vld [tilespmem:s22+$0x20]  }
0x26: {  	v7 =	vld [tilespmem:s22+$0x30];
	[tilespmem:s22+$0xFFFFFFB0] =	vst v1;
	v1 =	vmul.f32 $8.000000000e+00, v5  }
0x27: {  	v5 =	vmul.f32 $8.000000000e+00, v6;
	[tilespmem:s22+$0xFFFFFFC0] =	vst v0;
	v0 =	vld [tilespmem:s22+$0x40]  }
0x28: {  	[tilespmem:s22+$0xFFFFFFD0] =	vst v1;
	v1 =	vld [tilespmem:s22+$0x50];
	v2 =	vmul.f32 $8.000000000e+00, v2  }
0x29: {  	s23 =	sshll.u32 s21, $0xD;
	[tilespmem:s22+$0xFFFFFFE0] =	vst v5;
	v6 =	vmul.f32 $8.000000000e+00, v3;
	v3 =	vld [tilespmem:s22+$0x60]  }
0x2a: {  	s23 =	sand.u32 $0xE000, s23;
	[tilespmem:s22+$0x0] =	vst v2;
	v5 =	vmul.f32 $8.000000000e+00, v4;
	v4 =	vld [tilespmem:s22+$0x70]  }
0x2b: {  	s24 =	simm.s32 $0x0;
	s23 =	sadd.s32 $0x6400, s23;
	s25 =	sadd.s32 $0x100, s22;
	v2 =	vld [tilespmem:s22+$0xFFFFFFF0];
	[tilespmem:s22+$0x10] =	vst v6;
	v6 =	vmul.f32 $8.000000000e+00, v7  }
.LBB2_3:
0x2c: {  	v7 =	vld [tilespmem:s25+$0xFFFFFF80];
	[tilespmem:s22+$0x20] =	vst v5;
	v0 =	vmul.f32 $8.000000000e+00, v0  }
0x2d: {  	v5 =	vld [tilespmem:s25+$0xFFFFFF90];
	[tilespmem:s22+$0x30] =	vst v6;
	v1 =	vmul.f32 $8.000000000e+00, v1  }
0x2e: {  	v6 =	vld [tilespmem:s25+$0xFFFFFFA0];
	[tilespmem:s22+$0x40] =	vst v0;
	v0 =	vmul.f32 $8.000000000e+00, v3  }
0x2f: {  	v3 =	vld [tilespmem:s25+$0xFFFFFFB0];
	[tilespmem:s22+$0x50] =	vst v1;
	v1 =	vmul.f32 $8.000000000e+00, v4  }
0x30: {  	v4 =	vld [tilespmem:s25+$0xFFFFFFC0];
	v2 =	vmul.f32 $8.000000000e+00, v2;
	[tilespmem:s22+$0x60] =	vst v0  }
0x31: {  	v0 =	vmul.f32 $8.000000000e+00, v7;
	v7 =	vld [tilespmem:s25+$0xFFFFFFD0];
	[tilespmem:s22+$0x70] =	vst v1  }
0x32: {  	v1 =	vmul.f32 $8.000000000e+00, v5;
	v5 =	vld [tilespmem:s25+$0xFFFFFFE0];
	[tilespmem:s22+$0xFFFFFFF0] =	vst v2;
	s22 =	smov.u32 s25  }
0x33: {  	[tilespmem:s25+$0xFFFFFF80] =	vst v0;
	v0 =	vmul.f32 $8.000000000e+00, v6;
	v2 =	vld [tilespmem:s25+$0x0]  }
0x34: {  	[tilespmem:s25+$0xFFFFFF90] =	vst v1;
	v1 =	vmul.f32 $8.000000000e+00, v3;
	v3 =	vld [tilespmem:s25+$0x10]  }
0x35: {  	s24 =	sadd.s32 $0x4, s24;
	[tilespmem:s25+$0xFFFFFFA0] =	vst v0;
	v0 =	vmul.f32 $8.000000000e+00, v4;
	v4 =	vld [tilespmem:s25+$0x20]  }
0x36: {  	p0 =	slt.u32 s24, $0x7C;
	[tilespmem:s25+$0xFFFFFFB0] =	vst v1;
	v1 =	vmul.f32 $8.000000000e+00, v7;
	v6 =	vld [tilespmem:s25+$0x30]  }
.Ltmp0:
0x37: {  	[tilespmem:s25+$0xFFFFFFC0] =	vst v0;
	v5 =	vmul.f32 $8.000000000e+00, v5;
	v0 =	vld [tilespmem:s25+$0x40];
	(pc) =	sbr.rel @p0 .LBB2_3-.Ltmp0, $4  }
0x38: {  	[tilespmem:s25+$0xFFFFFFD0] =	vst v1;
	v2 =	vmul.f32 $8.000000000e+00, v2;
	v1 =	vld [tilespmem:s25+$0x50]  }
0x39: {  	[tilespmem:s25+$0xFFFFFFE0] =	vst v5;
	v7 =	vmul.f32 $8.000000000e+00, v3;
	v3 =	vld [tilespmem:s25+$0x60]  }
0x3a: {  	[tilespmem:s25+$0x0] =	vst v2;
	v5 =	vmul.f32 $8.000000000e+00, v4;
	v4 =	vld [tilespmem:s25+$0x70]  }
0x3b: {  	s25 =	sadd.s32 $0x100, s25;
	v2 =	vld [tilespmem:s22+$0xFFFFFFF0];
	[tilespmem:s22+$0x10] =	vst v7;
	v6 =	vmul.f32 $8.000000000e+00, v6  }
0x3c: {  	[tilespmem:s22+$0x20] =	vst v5;
	v0 =	vmul.f32 $8.000000000e+00, v0  }
0x3d: {  	[tilespmem:s22+$0x30] =	vst v6;
	v1 =	vmul.f32 $8.000000000e+00, v1  }
0x3e: {  	[tilespmem:s22+$0x40] =	vst v0;
	v62 =	vmul.f32 $8.000000000e+00, v3  }
0x3f: {  	s24 =	sshll.u32 s21, $0xE;
	p0 =	sgt.u32 s21, $0xC3;
	[tilespmem:s22+$0x50] =	vst v1;
	v63 =	vmul.f32 $8.000000000e+00, v4  }
0x40: {  	s24 =	sadd.s32 s6, s24;
	p1 =	slt.u32 @!p0 s21, $0x4;
	v2 =	vmul.f32 $8.000000000e+00, v2;
	[tilespmem:s22+$0x60] =	vst v62  }
0x41: {  	s24 =	sshrl.u32 s24, $0x3;
	p1 =	por p1, p0;
	[tilespmem:s22+$0x70] =	vst v63  }
0x42: {  	s31 =	sadd.s32 s4, s24;
	[tilespmem:s22+$0xFFFFFFF0] =	vst v2;
	s22 =	simm.s32 @!p1 $0x2  }
0x43: {  	[hbm4b:s31+s17] =	stream.strided.scatter [tilespmem:s23], [sflag:$0x2], $0x2000, s9, s17, $0x38;
	[tilespmem:$0x16400] =	vst v63  }
0x44: {  	s23 =	sadd.s32 $0x4, s21;
	_ =	swait.ge @!p1 [sflag:s22], $0x2000  }
0x45: {  	s21 =	sadd.s32 $0x1, s21;
	s24 =	sshll.u32 @!p0 s23, $0xD;
	[sflag:s22] =	ssyncset.done @!p1 $0x0  }
0x46: {  	s23 =	sshll.u32 @!p0 s23, $0x7;
	[sflag:s22] =	ssyncadd.s32 @!p1 $0xFFFFE000;
	s22 =	sand.u32 @!p0 $0xE000, s24  }
0x47: {  	s23 =	sand.u32 @!p0 $0x3FFFFF80, s23;
	s24 =	simm.s32 @!p0 $0x80;
	s22 =	sadd.s32 @!p0 $0x6400, s22  }
0x48: {  	[tilespmem:s22], [sflag:$0x1] =	stream.indirect.gather @!p0 [hbm4b:s3+s24], $0x40, s23, s24, $0xb8;
	[tilespmem:$0x16400] =	vst v63  }
0x49: {  	p0 =	sne.s32 s21, $0xC8  }
.Ltmp1:
0x4a: {  	_ = 	snop;
	(pc) =	sbr.rel @p0 .LBB2_2-.Ltmp1, $2  }
0x4b: {  	_ =	sdelay $0x2  }
0x4c: {  	s20 =	sadd.s32 $0x1, s20  }
0x4d: {  	_ =	swait.ge [sflag:s18], $0x2000  }
0x4e: {  	[sflag:s18] =	ssyncset.done $0x0  }
0x4f: {  	[sflag:s18] =	ssyncadd.s32 $0xFFFFE000  }
0x50: {  	_ =	swait.ge [sflag:s18], $0x2000  }
0x51: {  	[sflag:s18] =	ssyncset.done $0x0  }
0x52: {  	[sflag:s18] =	ssyncadd.s32 $0xFFFFE000  }
0x53: {  	_ =	swait.ge [sflag:s18], $0x2000  }
0x54: {  	[sflag:s18] =	ssyncset.done $0x0  }
0x55: {  	[sflag:s18] =	ssyncadd.s32 $0xFFFFE000  }
0x56: {  	_ =	swait.ge [sflag:s18], $0x2000  }
0x57: {  	[sflag:s18] =	ssyncset.done $0x0  }
0x58: {  	[sflag:s18] =	ssyncadd.s32 $0xFFFFE000  }
0x59: {  	_ =	swait.ge [sflag:s18], $0x2000  }
0x5a: {  	[sflag:s18] =	ssyncset.done $0x0  }
0x5b: {  	[sflag:s18] =	ssyncadd.s32 $0xFFFFE000  }
0x5c: {  	_ =	swait.ge [sflag:s18], $0x2000  }
0x5d: {  	[sflag:s18] =	ssyncset.done $0x0  }
0x5e: {  	s19 =	sadd.s32 $0x1, s19;
	[sflag:s18] =	ssyncadd.s32 $0xFFFFE000  }
0x5f: {  	p0 =	sne.s32 s19, s7;
	_ =	swait.ge [sflag:s18], $0x2000  }
.Ltmp2:
0x60: {  	[sflag:s18] =	ssyncset.done $0x0;
	(pc) =	sbr.rel @p0 .LBB2_1-.Ltmp2, $4  }
0x61: {  	[sflag:s18] =	ssyncadd.s32 $0xFFFFE000  }
0x62: {  	_ =	swait.ge [sflag:s18], $0x2000  }
0x63: {  	[sflag:s18] =	ssyncset.done $0x0  }
0x64: {  	[sflag:s18] =	ssyncadd.s32 $0xFFFFE000  }
0x65: {  	_ =	sfence.sel $0x180000  }
0x66: {  	[bflag:$0x0] =	sbarrier.arrive $0xFFFF  }
0x67: {  	p0 =	sne.s32 s1, $0x0;
	_ =	strace $0x90000047  }
0x68: {  	s0 =	sadd.s32 @!p0 $0x100000, s0;
	[bflag:$0x2] =	sbarrier.arrive $0xFFFF  }
0x69: {  	[sflag:s0] =	ssyncadd.tile.s32 @!p0 $0x1;
	_ =	shalt  }
.Lfunc_end2:
_tile_overlayer_lowered:
.L_overlay_start_2:
0x6a: {  	(tag) =	ssettag $0x2  }
0x6b: {  	s0 =	rddreg [dreg:$0x0];
	s2 =	stileid.u32  }
0x6c: {  	s1 =	rddreg [dreg:$0x1];
	p0 =	sne.s32 s2, $0x0  }
0x6d: {  	s3 =	rddreg [dreg:$0x2];
	[bflag:$0x3] =	sbarrier.arrive $0xFFFF;
	s2 =	simm.s32 @!p0 $0x1C03  }
0x6e: {  	[timem:s3], [sflag:s2] =	dma.local @!p0 [hbm:s0], s1  }
0x6f: {  	s0 =	simm.s32 @!p0 $0x3  }
0x70: {  	_ =	swait.ge @!p0 [sflag:s0], s1  }
0x71: {  	s1 =	ssub.s32 @!p0 $0x0, s1;
	[sflag:s0] =	ssyncset.done @!p0 $0x0  }
0x72: {  	[sflag:s0] =	ssyncadd.s32 @!p0 s1  }
0x73: {  	[bflag:$0x3] =	sbarrier.arrive $0xFFFF  }
0x74: {  	_ =	shalt  }

// kernel: sparse-core-data-format-call.cloned.1.call-start
scs
called_computation_lowered:
.L_overlay_start_0:
0x0: {  	s2 =	sld [smem:$0x3FD9]  }
0x1: {  	s3 =	sld [smem:$0x3FFE];
	_ =	sdelay $0x1  }
0x2: {  	s1 =	srdreg.scid  }
0x3: {  	s0 =	sand.u32 $0x1, s1  }
0x4: {  	s18 =	sshll.u32 s0, $0xA;
	s2 =	sadd.s32 s3, s2  }
0x5: {  	s2 =	sadd.s32 s2, s18  }
0x6: {  	[smem:$0x3FC6] =	sst s2  }
0x7: {  	_ = 	snop  }
0x8: {  	s2 =	sld [smem:$0x3FD0];
	(tm) =	ssettm $0x1  }
0x9: {  	s19 =	sld [smem:$0x3FFB];
	_ =	sdelay $0x3  }
0xa: {  	_ =	strace s19  }
0xb: {  	s3 =	sld [smem:$0x3FFC];
	_ =	sdelay $0x3  }
0xc: {  	_ =	strace s3  }
0xd: {  	s3 =	sld [smem:$0x3FFD];
	_ =	sdelay $0x3  }
0xe: {  	_ =	strace s3  }
0xf: {  	_ =	strace $0x8FFFFFFF  }
0x10: {  	s20 =	sld [smem:$0x3FDB];
	_ =	sdelay $0x1  }
0x11: {  	s4 =	simm.s32 $_scs_section_size  }
0x12: {  	s5 =	simm.s32 $_size__tile_overlayer_lowered;
	s6 =	simm.s32 $_tile_overlayer_lowered  }
0x13: {  	s23 =	simm.s32 $0x1BFF;
	s22 =	sshll.u32 s6, $0x1;
	s3 =	sadd.s32 s4, s20  }
0x14: {  	s7 =	simm.s32 $0x0;
	s21 =	sshll.u32 s5, $0x1;
	s5 =	sadd.s32 s22, s3  }
0x15: {  	[timem:s7], [sflag:s23] =	dma.local [hbm:s5], s21  }
0x16: {  	_ =	swait.ge [sflag:s23], s21  }
0x17: {  	s4 =	ssub.s32 $0x0, s21;
	[sflag:s23] =	ssyncset.done $0x0  }
0x18: {  	[sflag:s23] =	ssyncadd.s32 s4;
	_ =	sdelay $0x1  }
0x19: {  	s24 =	simm.s32 $0x1B8B  }
0x1a: {  	_ =	swait.ge [sflag:s24], $0x1  }
0x1b: {  	[sflag:s24] =	ssyncset.done $0x0  }
0x1c: {  	s26 =	simm.s32 $0x1B8E;
	s25 =	sld [smem:$0x3FFE];
	[sflag:s24] =	ssyncadd.s32 $0xFFFFFFFF  }
0x1d: {  	s27 =	simm.s32 $execute0_lowered;
	[smem:$0x3FD2] =	sst s26  }
0x1e: {  	s5 =	sshll.u32 s27, $0x1;
	_ =	strace $0x80000049;
	[dreg:$0x1] =	wrdreg $0xFFFFFFFF  }
0x1f: {  	s28 =	simm.s32 $_size_execute0_lowered;
	s3 =	sadd.s32 s3, s5;
	[dreg:$0x0] =	wrdreg $0x0  }
0x20: {  	s5 =	sshll.u32 s28, $0x1;
	[dreg:$0x2] =	wrdreg s3  }
0x21: {  	[dreg:$0x3] =	wrdreg s5  }
0x22: {  	[dreg:$0x4] =	wrdreg $0xC0  }
0x23: {  	_ =	task [dreg:s7], $0x5FFFF  }
0x24: {  	[dreg:$0x1] =	wrdreg $0xFFFFFFFF  }
0x25: {  	[dreg:$0x0] =	wrdreg $0x60  }
0x26: {  	[dreg:$0x2] =	wrdreg s25  }
0x27: {  	[dreg:$0x3] =	wrdreg s2  }
0x28: {  	[dreg:$0x4] =	wrdreg $0x9  }
0x29: {  	_ =	task.clear_ibuf [dreg:s7], $0x5FFFF;
	_ =	strace $0x90000049  }
0x2a: {  	s29 =	simm.s32 $0x9;
	_ =	strace $0x8000004B  }
0x2b: {  	_ =	swait.ge [sflag:s29], $0x1  }
0x2c: {  	[sflag:s29] =	ssyncadd.s32 $0xFFFFFFFF  }
0x2d: {  	_ =	strace $0x9000004B  }
0x2e: {  	_ =	sfence  }
0x2f: {  	s30 =	sld [smem:$0x0];
	_ =	sdelay $0x2  }
0x30: {  	s31 =	sshll.u32 s1, $0xD;
	s1 =	sshrl.u32 s1, $0x2  }
0x31: {  	s3 =	sand.u32 $0x4000, s31;
	s1 =	sadd.s32 s1, s30  }
0x32: {  	s0 =	sor.u32 s3, s0;
	s1 =	sshll.u32 s1, $0x11  }
0x33: {  	s0 =	sor.u32 s1, s0  }
0x34: {  	s0 =	sadd.s32 $0x8F2B, s0  }
0x35: {  	[sflag:s0] =	ssyncadd.remote.s32 $0x1  }
0x36: {  	_ =	sfence.sel $0xFFFF  }
0x37: {  	[dreg:$0x0] =	wrdreg $0xFFFFFFFF;
	(pc) =	sbr.abs _section_cstart, $3  }
0x38: {  	[dreg:$0x1] =	wrdreg $0xFFFFFFFF  }
0x39: {  	_ =	task.clear_ibuf [dreg:s7], $0x2FFFF;
	_ =	strace $0x9FFFFFFF  }
0x3a: {  	(tm) =	ssettm $0x7FFFFFFF  }
0x3b: {  	_ =	shalt  }
tec
execute0_lowered:
.L_overlay_start_1:
0x0: {  	(tag) =	ssettag $0x1  }
0x1: {  	s0 =	srdreg.scid  }
0x2: {  	s1 =	sshll.u32 s0, $0x4  }
0x3: {  	s0 =	stileid.u32;
	s1 =	sand.u32 $0x10, s1  }
0x4: {  	s1 =	sor.u32 s0, s1  }
0x5: {  	s6 =	rddreg [dreg:$0x0];
	s4 =	simm.s32 $0x1;
	s2 =	sshll.u32 s1, $0x7  }
0x6: {  	s7 =	simm.s32 $0x2;
	s12 =	simm.s32 $0x0;
	s1 =	ssub.s32 $0x1000, s2  }
0x7: {  	s8 =	simm.s32 $0x8000;
	s13 =	simm.s32 $0x0;
	s3 =	sand.u32 $0xF80, s1  }
0x8: {  	s9 =	simm.s32 $0x0;
	s5 =	sshrl.u32 s1, $0xC;
	p0 =	sne.s32 s3, $0x0  }
.Ltmp0:
0x9: {  	s1 =	rddreg [dreg:$0x2];
	s4 =	simm.s32 @!p0 $0x0;
	(pc) =	sbr.rel .LBB1_1-.Ltmp0, $4  }
0xa: {  	s11 =	simm.s32 $0x0;
	s3 =	rddreg [dreg:$0x1];
	s5 =	sadd.s32 s4, s5  }
0xb: {  	_ =	strace $0x8000004A;
	s4 =	simm.s32 $0x1;
	s5 =	smul.u32 $0xC8, s5  }
0xc: {  	s6 =	sadd.s32 $0xA00, s6;
	s10 =	smov.u32 s2;
	[sflag:s4] =	ssyncpa.u1 $0x0  }
0xd: {  	p0 =	por $0x0, $0x0;
	[sflag:s7] =	ssyncpa.u1 $0x0;
	s7 =	sor.u32 $0x1, s5  }
.LBB1_4:
0xe: {  	s16 =	sshll.u32 s13, $0x3;
	s17 =	sand.u32 $0x78, s13  }
0xf: {  	s30 =	sand.u32 $0x7E00, s13;
	s12 =	sshll.u32 s12, $0xF;
	s16 =	sand.u32 $0xC00, s16  }
0x10: {  	[tilespmem:s15+$0x810 ss:$0x81] =	vst.msk $0xffff, v2;
	s31 =	sand.u32 $0x7, s13;
	s16 =	sor.u32 s17, s16;
	s17 =	sadd.s32 s3, s30  }
0x11: {  	[tilespmem:s15+$0x1020 ss:$0x81] =	vst.msk $0xffff, v0;
	s13 =	sshll.u32 s31, $0x12;
	s12 =	sadd.s32 s12, s17;
	s16 =	sshrl.u32 s16, $0x3  }
0x12: {  	[tilespmem:s15+$0x0 ss:$0x81] =	vst.msk $0xffff, v1;
	s13 =	sor.u32 $0x400, s13;
	s12 =	sadd.s32 s16, s12  }
0x13: {  	[hbm4b:s12+s13] =	stream.strided.scatter [tilespmem:s14], [sflag:$0x2], $0x2000, s8, s13, $0x20;
	[tilespmem:$0x8080] =	vst v63  }
.LBB1_5:
0x14: {  	s14 =	sadd.s32 $0x1, s9  }
0x15: {  	s12 =	sadd.s32 $0x1000, s10;
	s16 =	smov.u32 s10;
	p2 =	sgt.s32 s14, $0xC7  }
0x16: {  	s16 =	smov.u32 @p2 s12  }
0x17: {  	s14 =	simm.s32 @p2 $0x0;
	p2 =	sgt.s32 s16, $0xFFF  }
0x18: {  	s16 =	smov.u32 @p2 s2;
	p2 =	sne.s32 s11, s7  }
.Ltmp1:
0x19: {  	p1 =	slt.u32 s11, $0x2;
	(pc) =	sbr.rel @!p2 .LBB1_6-.Ltmp1, $4  }
0x1a: {  	s15 =	simm.s32 @!p1 $0x2  }
0x1b: {  	s13 =	smov.u32 s10;
	p0 =	por !p0, !p0;
	_ =	swait.ge @!p1 [sflag:s15], $0x2000  }
0x1c: {  	s12 =	smov.u32 s9;
	[sflag:s15] =	ssyncset.done @!p1 $0x0;
	s9 =	smov.u32 s14  }
0x1d: {  	s11 =	sadd.s32 $0x1, s11;
	[sflag:s15] =	ssyncadd.s32 @!p1 $0xFFFFE000;
	s10 =	smov.u32 s16  }
.LBB1_1:
0x1e: {  	p1 =	sge.u32 s11, s5  }
0x1f: {  	s14 =	sand.u32 @!p1 $0x1FFFFFF, s9  }
0x20: {  	s15 =	smulhi.u32 @!p1 $0x147AE15, s14;
	_ =	sdelay $0x1  }
0x21: {  	s15 =	smul.u32 @!p1 $0xC8, s15  }
0x22: {  	s16 =	sxor.u32 @!p1 $0xFFFFFFFF, s11;
	s17 =	smul.u32 @!p1 $0xC80, s10  }
0x23: {  	s31 =	sadd.s32 $0xFFFFFFFF, s11;
	s16 =	sshll.u32 @!p1 s16, $0xD;
	s14 =	ssub.s32 @!p1 s14, s15  }
0x24: {  	s15 =	sand.u32 @!p1 $0x2000, s16;
	s16 =	sadd.s32 @!p1 s6, s17;
	s14 =	sshll.u32 @!p1 s14, $0x4  }
0x25: {  	s17 =	simm.s32 @!p1 $0x6400;
	s14 =	sadd.s32 @!p1 s14, s16;
	s16 =	simm.s32 @!p1 $0x40  }
0x26: {  	[tilespmem:s15], [sflag:$0x1] =	stream.strided.gather @!p1 [hbm4b:s14+s16], $0x2000, s17, s16, $0x38;
	[tilespmem:$0x8080] =	vst v63  }
0x27: {  	p1 =	sge.u32 s31, s5  }
.Ltmp2:
0x28: {  	_ = 	snop;
	(pc) =	sbr.rel @p1 .LBB1_5-.Ltmp2, $1  }
0x29: {  	_ =	sdelay $0x3  }
0x2a: {  	s14 =	simm.s32 $0x1  }
0x2b: {  	_ =	swait.ge [sflag:s4], $0x2000;
	s14 =	simm.s32 @!p0 $0x0  }
0x2c: {  	[sflag:s4] =	ssyncset.done $0x0;
	s15 =	sshll.u32 s14, $0xD  }
0x2d: {  	[sflag:s4] =	ssyncadd.s32 $0xFFFFE000;
	s18 =	sor.u32 $0x20, s15  }
0x2e: {  	s14 =	smul.u32 $0x8100, s14;
	v3 =	vld [tilespmem:s18+$0x10]  }
0x2f: {  	s30 =	sand.u32 $0x1, s11;
	v2 =	vld [tilespmem:s18+$0xFFFFFFF0]  }
0x30: {  	s15 =	smul.u32 $0x8100, s30;
	s14 =	sshrl.u32 s14, $0x2;
	v0 =	vld [tilespmem:s18+$0x0]  }
0x31: {  	v1 =	vld [tilespmem:s18+$0xFFFFFFE0];
	s16 =	sor.u32 $0x4000, s14  }
0x32: {  	s31 =	sshrl.u32 s15, $0x2;
	s15 =	sadd.s32 $0x0, s16  }
0x33: {  	s17 =	simm.s32 $0x4;
	s18 =	sadd.s32 $0x40, s18;
	s14 =	sor.u32 $0x4000, s31;
	[tilespmem:s15+$0x1830 ss:$0x81] =	vst.msk $0xffff, v3  }
.LBB1_3:
0x34: {  	v3 =	vld [tilespmem:s18+$0x10];
	p1 =	sne.s32 s17, $0x1FC;
	[tilespmem:s15+$0x810 ss:$0x81] =	vst.msk $0xffff, v2;
	s19 =	smov.u32 s17;
	s17 =	sadd.s32 $0x4, s17  }
.Ltmp3:
0x35: {  	v2 =	vld [tilespmem:s18+$0xFFFFFFF0];
	[tilespmem:s15+$0x1020 ss:$0x81] =	vst.msk $0xffff, v0;
	(pc) =	sbr.rel @p1 .LBB1_3-.Ltmp3, $4  }
0x36: {  	v0 =	vld [tilespmem:s18+$0x0];
	[tilespmem:s15+$0x0 ss:$0x81] =	vst.msk $0xffff, v1  }
0x37: {  	s15 =	sshra.s32 s19, $0x2;
	v1 =	vld [tilespmem:s18+$0xFFFFFFE0]  }
0x38: {  	s15 =	sadd.s32 s15, s16  }
0x39: {  	s18 =	sadd.s32 $0x40, s18;
	[tilespmem:s15+$0x1830 ss:$0x81] =	vst.msk $0xffff, v3  }
.Ltmp4:
0x3a: {  	_ = 	snop;
	(pc) =	sbr.rel .LBB1_4-.Ltmp4, $1  }
0x3b: {  	_ =	sdelay $0x3  }
.LBB1_6:
0x3c: {  	_ =	sfence.sel $0x180000  }
0x3d: {  	s2 =	simm.s32 $0x1;
	[bflag:$0x0] =	sbarrier.arrive $0xFFFF  }
0x3e: {  	s31 =	simm.s32 $0x2;
	[sflag:s2] =	ssyncpa.u1 $0x1  }
0x3f: {  	[sflag:s31] =	ssyncpa.u1 $0x1  }
0x40: {  	p0 =	sne.s32 s0, $0x0;
	_ =	strace $0x9000004A  }
0x41: {  	s0 =	sadd.s32 @!p0 $0x100000, s1;
	[bflag:$0x2] =	sbarrier.arrive $0xFFFF  }
0x42: {  	[sflag:s0] =	ssyncadd.tile.s32 @!p0 $0x1;
	_ =	shalt  }
.Lfunc_end1:
_tile_overlayer_lowered:
.L_overlay_start_2:
0x43: {  	(tag) =	ssettag $0x2  }
0x44: {  	s0 =	rddreg [dreg:$0x0];
	s2 =	stileid.u32  }
0x45: {  	s1 =	rddreg [dreg:$0x1];
	p0 =	sne.s32 s2, $0x0  }
0x46: {  	s3 =	rddreg [dreg:$0x2];
	[bflag:$0x3] =	sbarrier.arrive $0xFFFF;
	s2 =	simm.s32 @!p0 $0x1C01  }
0x47: {  	[timem:s3], [sflag:s2] =	dma.local @!p0 [hbm:s0], s1  }
0x48: {  	s0 =	simm.s32 @!p0 $0x1  }
0x49: {  	_ =	swait.ge @!p0 [sflag:s0], s1  }
0x4a: {  	s1 =	ssub.s32 @!p0 $0x0, s1;
	[sflag:s0] =	ssyncset.done @!p0 $0x0  }
0x4b: {  	[sflag:s0] =	ssyncadd.s32 @!p0 s1  }
0x4c: {  	[bflag:$0x3] =	sbarrier.arrive $0xFFFF  }
0x4d: {  	_ =	shalt  }

</sc_bundles>
